<compile_context>
chip_gen: v7x
topology: tpu7x:2x2x1
jax: 0.10.2.dev20260603
libtpu: 0.0.44.dev20260713+nightly
codegen_flags: <defaults>
</compile_context>

<pallas_src>
import functools

import jax
import jax.numpy as jnp
from jax import lax
from jax.experimental import pallas as pl
from jax.experimental.pallas import tpu as pltpu
from jax.experimental.pallas import tpu_sc as plsc

_EMB_DIM = 64
_LAM = 0.0001
_NC = 2
_NS = 16
_LANES = 16
_NW = _NC * _NS

_CHUNK = 128
_NSTREAM = 1
_DUNROLL = 4

@functools.lru_cache(maxsize=None)
def _build_sc_kernel(B: int, L: int, V: int):
    P = B * L
    assert P % (_NW * _CHUNK) == 0, (B, L)
    assert B % _NW == 0, (B, L)
    per_w = P // _NW
    n_chunks = per_w // _CHUNK
    n_k = n_chunks // 2
    users_per_w = B // _NW
    uflat_per_w = users_per_w * _EMB_DIM
    groups = _CHUNK // _LANES

    mesh = plsc.VectorSubcoreMesh(core_axis_name="c", subcore_axis_name="s")

    @functools.partial(
        pl.kernel,
        out_type=(
            jax.ShapeDtypeStruct((P,), jnp.float32),
            jax.ShapeDtypeStruct((_NW * _LANES,), jnp.float32),
            jax.ShapeDtypeStruct((_NW * _LANES,), jnp.float32),
        ),
        mesh=mesh,
        compiler_params=pltpu.CompilerParams(
            needs_layout_passes=False, use_tc_tiling_on_sc=False),
        scratch_types=[
            pltpu.VMEM((per_w,), jnp.int32),
            pltpu.VMEM((uflat_per_w,), jnp.float32),
            pltpu.VMEM((_NSTREAM, _CHUNK // _NSTREAM), jnp.int32),
            pltpu.VMEM((_NSTREAM, _CHUNK // _NSTREAM), jnp.int32),
            pltpu.VMEM((_CHUNK, _EMB_DIM), jnp.float32),
            pltpu.VMEM((_CHUNK, _EMB_DIM), jnp.float32),
            pltpu.VMEM((_CHUNK,), jnp.float32),
            pltpu.VMEM((_CHUNK,), jnp.float32),
            pltpu.VMEM((_LANES,), jnp.float32),
            pltpu.SemaphoreType.DMA,
            pltpu.SemaphoreType.DMA,
            pltpu.SemaphoreType.DMA,
            pltpu.SemaphoreType.DMA,
        ],
    )
    def sc_kernel(pois_hbm, uflat_hbm, iwide_hbm,
                  pred_hbm, lu_hbm, li_hbm,
                  pois_v, uflat_v, widx0, widx1, rows0, rows1,
                  out0, out1, part_v,
                  sem_g0, sem_g1, sem_o0, sem_o1):
        wid = lax.axis_index("s") * _NC + lax.axis_index("c")
        pbase = wid * per_w
        lane = lax.iota(jnp.int32, _LANES)

        widx = (widx0, widx1)
        rows = (rows0, rows1)
        outs = (out0, out1)
        sem_g = (sem_g0, sem_g1)
        sem_o = (sem_o0, sem_o1)

        pltpu.sync_copy(pois_hbm.at[pl.ds(pbase, per_w)], pois_v)
        pltpu.sync_copy(uflat_hbm.at[pl.ds(wid * uflat_per_w, uflat_per_w)],
                        uflat_v)

        sub = _CHUNK // _NSTREAM

        def issue_gather(c, buf):
            for j in range(groups):
                v = plsc.load_gather(pois_v, [c * _CHUNK + j * _LANES + lane])
                widx[buf][j * _LANES // sub,
                          pl.ds(j * _LANES % sub, _LANES)] = v
            for r in range(_NSTREAM):
                pltpu.async_copy(iwide_hbm.at[widx[buf].at[r]],
                                 rows[buf].at[pl.ds(r * sub, sub)],
                                 sem_g[buf])

        def wait_gather(buf):
            pltpu.make_async_copy(iwide_hbm.at[pl.ds(0, _CHUNK)], rows[buf],
                                  sem_g[buf]).wait()

        def wait_out(buf):
            pltpu.make_async_copy(pred_hbm.at[pl.ds(0, _CHUNK)], outs[buf],
                                  sem_o[buf]).wait()

        issue_gather(0, 0)

        def k_body(k, carry):
            lu, li = carry
            for par in (0, 1):
                c = 2 * k + par
                if par == 0:
                    issue_gather(c + 1, 1)
                else:
                    @pl.when(k < n_k - 1)
                    def _():
                        issue_gather(c + 1, 0)
                wait_gather(par)

                @pl.when(k >= 1)
                def _():
                    wait_out(par)

                def group_body(g, carry2):
                    lu2, li2 = carry2
                    ids = g * _LANES + lane
                    ploc = c * _CHUNK + ids
                    ul = lax.div(ploc, jnp.int32(L))
                    ubase = ul * _EMB_DIM
                    zerov = jnp.zeros((_LANES,), jnp.int32)

                    def d_body(j, carry3):
                        acc, lu3, li3 = carry3
                        for dd in range(_DUNROLL):
                            d = j * _DUNROLL + dd
                            iv = plsc.load_gather(rows[par], [ids, zerov + d])
                            uv = plsc.load_gather(uflat_v, [ubase + d])
                            acc = acc + uv * iv
                            lu3 = lu3 + uv * uv
                            li3 = li3 + iv * iv
                        return (acc, lu3, li3)

                    acc, lu2, li2 = lax.fori_loop(
                        0, _EMB_DIM // _DUNROLL, d_body,
                        (jnp.zeros((_LANES,), jnp.float32), lu2, li2))
                    plsc.store_scatter(outs[par], [ids], acc)
                    return (lu2, li2)

                lu, li = lax.fori_loop(0, groups, group_body, (lu, li))
                pltpu.async_copy(outs[par],
                                 pred_hbm.at[pl.ds(pbase + c * _CHUNK, _CHUNK)],
                                 sem_o[par])
            return (lu, li)

        zero = jnp.zeros((_LANES,), jnp.float32)
        lu, li = lax.fori_loop(0, n_k, k_body, (zero, zero))

        wait_out(0)
        wait_out(1)
        part_v[...] = lu
        pltpu.sync_copy(part_v, lu_hbm.at[pl.ds(wid * _LANES, _LANES)])
        part_v[...] = li
        pltpu.sync_copy(part_v, li_hbm.at[pl.ds(wid * _LANES, _LANES)])

    return sc_kernel


def kernel(users, POIs, u_embeds, i_embeds):
    B, L = POIs.shape
    V = i_embeds.shape[0]
    pois_flat = POIs.reshape(B * L)
    uflat = jnp.take(u_embeds, users.reshape(B), axis=0).reshape(B * _EMB_DIM)
    sc = _build_sc_kernel(B, L, V)
    pred_flat, lu, li = sc(pois_flat, uflat, i_embeds)
    pred = pred_flat.reshape(B, L)
    loss = _LAM * (jnp.sum(lu) + jnp.sum(li))
    return (pred, loss)

# --- scband reference (transcript-rebuilt; emitter-appended) ---
"""Pipeline reference for scband-model-24146306138498 (READ-ONLY COPY).

The authoritative reference and input builder live on the scoring server;
editing this copy changes nothing except your own understanding.
"""

import jax, jax.numpy as jnp
import numpy as np

NUM_USER = 1000000
NUM_ITEM = 1000000
EMB_DIM = 64
LAM = 0.0001
B = 16384
L = 50


def setup_inputs(seed: int = 0) -> dict:
    key = jax.random.key(seed)
    k1, k2, k3, k4 = jax.random.split(key, 4)
    # xavier_normal init: std = sqrt(2 / (fan_in + fan_out))
    std_u = (2.0 / (NUM_USER + EMB_DIM)) ** 0.5
    std_i = (2.0 / (NUM_ITEM + EMB_DIM)) ** 0.5
    u_embeds = jax.random.normal(k1, (NUM_USER, EMB_DIM), dtype=jnp.float32) * std_u
    i_embeds = jax.random.normal(k2, (NUM_ITEM, EMB_DIM), dtype=jnp.float32) * std_i
    users = jax.random.randint(k3, (B, 1), 0, NUM_USER, dtype=jnp.int32)
    POIs = jax.random.randint(k4, (B, L), 0, NUM_ITEM, dtype=jnp.int32)
    return {"users": users, "POIs": POIs, "u_embeds": u_embeds, "i_embeds": i_embeds}


def reference(users, POIs, u_embeds, i_embeds):
    # propagate(): base MF behavior -> raw embeddings
    users_feature, POIs_feature = u_embeds, i_embeds
    # gather item rows: [B, L, D]
    POIs_embedding = jnp.take(POIs_feature, POIs, axis=0)
    # gather user rows [B, 1, D] then expand to [B, L, D]
    users_embedding = jnp.broadcast_to(
        jnp.take(users_feature, users, axis=0), (users.shape[0], POIs.shape[1], EMB_DIM)
    )
    # predict: dot product over embedding dim
    pred = jnp.sum(users_embedding * POIs_embedding, axis=2)
    # regularize: L2 on gathered (expanded) embeddings
    loss = LAM * ((users_embedding ** 2).sum() + (POIs_embedding ** 2).sum())
    return (pred, loss)

if __name__ == "__main__":
    import jax
    _d = setup_inputs()
    print(jax.jit(kernel)(*tuple(_d.values())))

</pallas_src>

<mosaic_0001>
#map = affine_map<(d0, d1) -> (0)>
#map1 = affine_map<(d0, d1) -> (0, 0)>
module attributes {stable_mosaic.version = 14 : i64} {
  func.func @sc_kernel(%arg0: i32, %arg1: i32, %arg2: memref<819200xi32, #tpu.memory_space<hbm>>, %arg3: memref<1048576xf32, #tpu.memory_space<hbm>>, %arg4: memref<1000000x64xf32, #tpu.memory_space<hbm>>, %arg5: memref<819200xf32, #tpu.memory_space<hbm>>, %arg6: memref<512xf32, #tpu.memory_space<hbm>>, %arg7: memref<512xf32, #tpu.memory_space<hbm>>, %arg8: memref<25600xi32, #tpu.memory_space<vmem>>, %arg9: memref<32768xf32, #tpu.memory_space<vmem>>, %arg10: memref<1x128xi32, #tpu.memory_space<vmem>>, %arg11: memref<1x128xi32, #tpu.memory_space<vmem>>, %arg12: memref<128x64xf32, #tpu.memory_space<vmem>>, %arg13: memref<128x64xf32, #tpu.memory_space<vmem>>, %arg14: memref<128xf32, #tpu.memory_space<vmem>>, %arg15: memref<128xf32, #tpu.memory_space<vmem>>, %arg16: memref<16xf32, #tpu.memory_space<vmem>>, %arg17: memref<!tpu.dma_semaphore, #tpu.memory_space<semaphore_mem>>, %arg18: memref<!tpu.dma_semaphore, #tpu.memory_space<semaphore_mem>>, %arg19: memref<!tpu.dma_semaphore, #tpu.memory_space<semaphore_mem>>, %arg20: memref<!tpu.dma_semaphore, #tpu.memory_space<semaphore_mem>>) attributes {dimension_semantics = [#tpu.dimension_semantics<core_parallel>, #tpu.dimension_semantics<subcore_parallel>], iteration_bounds = array<i64: 2, 16>, scalar_prefetch = 0 : i64, scratch_operands = 13 : i64, tpu.core_type = #tpu.core_type<sc_vector_subcore>, window_params = [{transform_indices = #map}, {transform_indices = #map}, {transform_indices = #map1}, {transform_indices = #map}, {transform_indices = #map}, {transform_indices = #map}]} {
    %mul3A = arith.constant 2 : i32
    %mul3A_0 = arith.muli %arg1, %mul3A : i32
    %add3A = arith.addi %mul3A_0, %arg0 : i32
    %mul3A_1 = arith.constant 25600 : i32
    %mul3A_2 = arith.muli %add3A, %mul3A_1 : i32
    %iota3A = tpu.iota {dimensions = array<i32: 0>} : vector<16xi32>
    "tpu.region"() ({
      %run_scoped3A = tpu.sem_alloc : memref<!tpu.dma_semaphore, #tpu.memory_space<semaphore_mem>>
      %dma_start3A_97 = tpu.memref_slice %arg2[%mul3A_2] : memref<819200xi32, #tpu.memory_space<hbm>> -> memref<25600xi32, #tpu.memory_space<hbm>>
      %dma_start3A_98 = tpu.memref_slice %arg2[%mul3A_2] : memref<819200xi32, #tpu.memory_space<hbm>> -> memref<25600xi32, #tpu.memory_space<hbm>>
      tpu.enqueue_dma source(%dma_start3A_98 : memref<25600xi32, #tpu.memory_space<hbm>>) target(%arg8 : memref<25600xi32, #tpu.memory_space<vmem>>) target_semaphore(%run_scoped3A : memref<!tpu.dma_semaphore, #tpu.memory_space<semaphore_mem>>)
      %dma_wait3A_99 = tpu.memref_slice %arg2[%mul3A_2] : memref<819200xi32, #tpu.memory_space<hbm>> -> memref<25600xi32, #tpu.memory_space<hbm>>
      %dma_wait3A_100 = tpu.memref_slice %arg2[%mul3A_2] : memref<819200xi32, #tpu.memory_space<hbm>> -> memref<25600xi32, #tpu.memory_space<hbm>>
      tpu.wait_dma2 semaphore(%run_scoped3A : memref<!tpu.dma_semaphore, #tpu.memory_space<semaphore_mem>>) src(%dma_wait3A_100 : memref<25600xi32, #tpu.memory_space<hbm>>) dst(%arg8 : memref<25600xi32, #tpu.memory_space<vmem>>)
      tpu.yield
    }) : () -> ()
    %mul3A_3 = arith.constant 32768 : i32
    %mul3A_4 = arith.muli %add3A, %mul3A_3 : i32
    "tpu.region"() ({
      %run_scoped3A = tpu.sem_alloc : memref<!tpu.dma_semaphore, #tpu.memory_space<semaphore_mem>>
      %dma_start3A_97 = tpu.memref_slice %arg3[%mul3A_4] : memref<1048576xf32, #tpu.memory_space<hbm>> -> memref<32768xf32, #tpu.memory_space<hbm>>
      %dma_start3A_98 = tpu.memref_slice %arg3[%mul3A_4] : memref<1048576xf32, #tpu.memory_space<hbm>> -> memref<32768xf32, #tpu.memory_space<hbm>>
      tpu.enqueue_dma source(%dma_start3A_98 : memref<32768xf32, #tpu.memory_space<hbm>>) target(%arg9 : memref<32768xf32, #tpu.memory_space<vmem>>) target_semaphore(%run_scoped3A : memref<!tpu.dma_semaphore, #tpu.memory_space<semaphore_mem>>)
      %dma_wait3A_99 = tpu.memref_slice %arg3[%mul3A_4] : memref<1048576xf32, #tpu.memory_space<hbm>> -> memref<32768xf32, #tpu.memory_space<hbm>>
      %dma_wait3A_100 = tpu.memref_slice %arg3[%mul3A_4] : memref<1048576xf32, #tpu.memory_space<hbm>> -> memref<32768xf32, #tpu.memory_space<hbm>>
      tpu.wait_dma2 semaphore(%run_scoped3A : memref<!tpu.dma_semaphore, #tpu.memory_space<semaphore_mem>>) src(%dma_wait3A_100 : memref<32768xf32, #tpu.memory_space<hbm>>) dst(%arg9 : memref<32768xf32, #tpu.memory_space<vmem>>)
      tpu.yield
    }) : () -> ()
    %add3A_5 = arith.constant 0 : i32
    %add3A_6 = vector.broadcast %add3A_5 : i32 to vector<16xi32>
    %add3A_7 = arith.addi %add3A_6, %iota3A : vector<16xi32>
    %gather3A = tpu.vector_load_idx %arg8[%add3A_7] : memref<25600xi32, #tpu.memory_space<vmem>>[vector<16xi32>], vector<16xi32>,
    %swap3A = arith.constant 0 : i32
    %swap3A_8 = arith.index_cast %swap3A : i32 to index
    %swap3A_9 = arith.constant 0 : index
    %swap3A_10 = tpu.vector_load %arg10[%swap3A_8, %swap3A_9] {strides = array<i32>} : memref<1x128xi32, #tpu.memory_space<vmem>>, vector<16xi32>,
    tpu.vector_store %arg10[%swap3A_8, %swap3A_9], %gather3A {strides = array<i32>} : memref<1x128xi32, #tpu.memory_space<vmem>>, vector<16xi32>,
    %add3A_11 = arith.constant 16 : i32
    %add3A_12 = vector.broadcast %add3A_11 : i32 to vector<16xi32>
    %add3A_13 = arith.addi %add3A_12, %iota3A : vector<16xi32>
    %gather3A_14 = tpu.vector_load_idx %arg8[%add3A_13] : memref<25600xi32, #tpu.memory_space<vmem>>[vector<16xi32>], vector<16xi32>,
    %swap3A_15 = arith.constant 0 : i32
    %swap3A_16 = arith.index_cast %swap3A_15 : i32 to index
    %swap3A_17 = arith.constant 16 : index
    %swap3A_18 = tpu.vector_load %arg10[%swap3A_16, %swap3A_17] {strides = array<i32>} : memref<1x128xi32, #tpu.memory_space<vmem>>, vector<16xi32>,
    tpu.vector_store %arg10[%swap3A_16, %swap3A_17], %gather3A_14 {strides = array<i32>} : memref<1x128xi32, #tpu.memory_space<vmem>>, vector<16xi32>,
    %add3A_19 = arith.constant 32 : i32
    %add3A_20 = vector.broadcast %add3A_19 : i32 to vector<16xi32>
    %add3A_21 = arith.addi %add3A_20, %iota3A : vector<16xi32>
    %gather3A_22 = tpu.vector_load_idx %arg8[%add3A_21] : memref<25600xi32, #tpu.memory_space<vmem>>[vector<16xi32>], vector<16xi32>,
    %swap3A_23 = arith.constant 0 : i32
    %swap3A_24 = arith.index_cast %swap3A_23 : i32 to index
    %swap3A_25 = arith.constant 32 : index
    %swap3A_26 = tpu.vector_load %arg10[%swap3A_24, %swap3A_25] {strides = array<i32>} : memref<1x128xi32, #tpu.memory_space<vmem>>, vector<16xi32>,
    tpu.vector_store %arg10[%swap3A_24, %swap3A_25], %gather3A_22 {strides = array<i32>} : memref<1x128xi32, #tpu.memory_space<vmem>>, vector<16xi32>,
    %add3A_27 = arith.constant 48 : i32
    %add3A_28 = vector.broadcast %add3A_27 : i32 to vector<16xi32>
    %add3A_29 = arith.addi %add3A_28, %iota3A : vector<16xi32>
    %gather3A_30 = tpu.vector_load_idx %arg8[%add3A_29] : memref<25600xi32, #tpu.memory_space<vmem>>[vector<16xi32>], vector<16xi32>,
    %swap3A_31 = arith.constant 0 : i32
    %swap3A_32 = arith.index_cast %swap3A_31 : i32 to index
    %swap3A_33 = arith.constant 48 : index
    %swap3A_34 = tpu.vector_load %arg10[%swap3A_32, %swap3A_33] {strides = array<i32>} : memref<1x128xi32, #tpu.memory_space<vmem>>, vector<16xi32>,
    tpu.vector_store %arg10[%swap3A_32, %swap3A_33], %gather3A_30 {strides = array<i32>} : memref<1x128xi32, #tpu.memory_space<vmem>>, vector<16xi32>,
    %add3A_35 = arith.constant 64 : i32
    %add3A_36 = vector.broadcast %add3A_35 : i32 to vector<16xi32>
    %add3A_37 = arith.addi %add3A_36, %iota3A : vector<16xi32>
    %gather3A_38 = tpu.vector_load_idx %arg8[%add3A_37] : memref<25600xi32, #tpu.memory_space<vmem>>[vector<16xi32>], vector<16xi32>,
    %swap3A_39 = arith.constant 0 : i32
    %swap3A_40 = arith.index_cast %swap3A_39 : i32 to index
    %swap3A_41 = arith.constant 64 : index
    %swap3A_42 = tpu.vector_load %arg10[%swap3A_40, %swap3A_41] {strides = array<i32>} : memref<1x128xi32, #tpu.memory_space<vmem>>, vector<16xi32>,
    tpu.vector_store %arg10[%swap3A_40, %swap3A_41], %gather3A_38 {strides = array<i32>} : memref<1x128xi32, #tpu.memory_space<vmem>>, vector<16xi32>,
    %add3A_43 = arith.constant 80 : i32
    %add3A_44 = vector.broadcast %add3A_43 : i32 to vector<16xi32>
    %add3A_45 = arith.addi %add3A_44, %iota3A : vector<16xi32>
    %gather3A_46 = tpu.vector_load_idx %arg8[%add3A_45] : memref<25600xi32, #tpu.memory_space<vmem>>[vector<16xi32>], vector<16xi32>,
    %swap3A_47 = arith.constant 0 : i32
    %swap3A_48 = arith.index_cast %swap3A_47 : i32 to index
    %swap3A_49 = arith.constant 80 : index
    %swap3A_50 = tpu.vector_load %arg10[%swap3A_48, %swap3A_49] {strides = array<i32>} : memref<1x128xi32, #tpu.memory_space<vmem>>, vector<16xi32>,
    tpu.vector_store %arg10[%swap3A_48, %swap3A_49], %gather3A_46 {strides = array<i32>} : memref<1x128xi32, #tpu.memory_space<vmem>>, vector<16xi32>,
    %add3A_51 = arith.constant 96 : i32
    %add3A_52 = vector.broadcast %add3A_51 : i32 to vector<16xi32>
    %add3A_53 = arith.addi %add3A_52, %iota3A : vector<16xi32>
    %gather3A_54 = tpu.vector_load_idx %arg8[%add3A_53] : memref<25600xi32, #tpu.memory_space<vmem>>[vector<16xi32>], vector<16xi32>,
    %swap3A_55 = arith.constant 0 : i32
    %swap3A_56 = arith.index_cast %swap3A_55 : i32 to index
    %swap3A_57 = arith.constant 96 : index
    %swap3A_58 = tpu.vector_load %arg10[%swap3A_56, %swap3A_57] {strides = array<i32>} : memref<1x128xi32, #tpu.memory_space<vmem>>, vector<16xi32>,
    tpu.vector_store %arg10[%swap3A_56, %swap3A_57], %gather3A_54 {strides = array<i32>} : memref<1x128xi32, #tpu.memory_space<vmem>>, vector<16xi32>,
    %add3A_59 = arith.constant 112 : i32
    %add3A_60 = vector.broadcast %add3A_59 : i32 to vector<16xi32>
    %add3A_61 = arith.addi %add3A_60, %iota3A : vector<16xi32>
    %gather3A_62 = tpu.vector_load_idx %arg8[%add3A_61] : memref<25600xi32, #tpu.memory_space<vmem>>[vector<16xi32>], vector<16xi32>,
    %swap3A_63 = arith.constant 0 : i32
    %swap3A_64 = arith.index_cast %swap3A_63 : i32 to index
    %swap3A_65 = arith.constant 112 : index
    %swap3A_66 = tpu.vector_load %arg10[%swap3A_64, %swap3A_65] {strides = array<i32>} : memref<1x128xi32, #tpu.memory_space<vmem>>, vector<16xi32>,
    tpu.vector_store %arg10[%swap3A_64, %swap3A_65], %gather3A_62 {strides = array<i32>} : memref<1x128xi32, #tpu.memory_space<vmem>>, vector<16xi32>,
    %dma_start3A = arith.constant 0 : i32
    %dma_start3A_67 = arith.constant 0 : i32
    %dma_start3A_68 = arith.constant 0 : i32
    %dma_start3A_69 = tpu.memref_slice %arg12[%dma_start3A_67, %dma_start3A_68] : memref<128x64xf32, #tpu.memory_space<vmem>> -> memref<128x64xf32, #tpu.memory_space<vmem>>
    %dma_start3A_70 = arith.constant 0 : i32
    %dma_start3A_71 = tpu.memref_slice %arg10[%dma_start3A, %dma_start3A_70] : memref<1x128xi32, #tpu.memory_space<vmem>> -> memref<1x128xi32, #tpu.memory_space<vmem>>
    %dma_start3A_72 = tpu.memref_squeeze %dma_start3A_71 : memref<1x128xi32, #tpu.memory_space<vmem>> -> memref<128xi32, #tpu.memory_space<vmem>>
    %dma_start3A_73 = arith.constant 0 : i32
    %dma_start3A_74 = arith.constant 0 : i32
    %dma_start3A_75 = tpu.memref_slice %arg4[%dma_start3A_73, %dma_start3A_74] : memref<1000000x64xf32, #tpu.memory_space<hbm>> -> memref<1000000x64xf32, #tpu.memory_space<hbm>>
    tpu.enqueue_indirect_dma source(%dma_start3A_75 : memref<1000000x64xf32, #tpu.memory_space<hbm>>) target(%dma_start3A_69 : memref<128x64xf32, #tpu.memory_space<vmem>>) offsets(%dma_start3A_72 : memref<128xi32, #tpu.memory_space<vmem>>) semaphore(%arg17 : memref<!tpu.dma_semaphore, #tpu.memory_space<semaphore_mem>>)
    %broadcast_in_dim3A = arith.constant 0.000000e+00 : f32
    %broadcast_in_dim3A_76 = vector.broadcast %broadcast_in_dim3A : f32 to vector<16xf32>
    %scan3A = arith.constant 0 : i32
    %scan3A_77 = arith.constant 100 : i32
    %scan3A_78 = arith.addi %scan3A, %scan3A_77 : i32
    %scan3A_79 = arith.constant 1 : i32
    %scan3A_80:2 = scf.for %scan3A_97 = %scan3A to %scan3A_78 step %scan3A_79 iter_args(%scan3A_98 = %broadcast_in_dim3A_76, %scan3A_99 = %broadcast_in_dim3A_76) -> (vector<16xf32>, vector<16xf32>)  : i32 {
      %mul3A_100 = arith.constant 2 : i32
      %mul3A_101 = arith.muli %mul3A_100, %scan3A_97 : i32
      %add3A_102 = arith.constant 0 : i32
      %add3A_103 = arith.addi %mul3A_101, %add3A_102 : i32
      %add3A_104 = arith.constant 1 : i32
      %add3A_105 = arith.addi %add3A_103, %add3A_104 : i32
      %mul3A_106 = arith.constant 128 : i32
      %mul3A_107 = arith.muli %add3A_105, %mul3A_106 : i32
      %add3A_108 = arith.constant 0 : i32
      %add3A_109 = arith.addi %mul3A_107, %add3A_108 : i32
      %add3A_110 = vector.broadcast %add3A_109 : i32 to vector<16xi32>
      %add3A_111 = arith.addi %add3A_110, %iota3A : vector<16xi32>
      %gather3A_112 = tpu.vector_load_idx %arg8[%add3A_111] : memref<25600xi32, #tpu.memory_space<vmem>>[vector<16xi32>], vector<16xi32>,
      %swap3A_113 = arith.constant 0 : i32
      %swap3A_114 = arith.index_cast %swap3A_113 : i32 to index
      %swap3A_115 = arith.constant 0 : index
      %swap3A_116 = tpu.vector_load %arg11[%swap3A_114, %swap3A_115] {strides = array<i32>} : memref<1x128xi32, #tpu.memory_space<vmem>>, vector<16xi32>,
      tpu.vector_store %arg11[%swap3A_114, %swap3A_115], %gather3A_112 {strides = array<i32>} : memref<1x128xi32, #tpu.memory_space<vmem>>, vector<16xi32>,
      %mul3A_117 = arith.constant 128 : i32
      %mul3A_118 = arith.muli %add3A_105, %mul3A_117 : i32
      %add3A_119 = arith.constant 16 : i32
      %add3A_120 = arith.addi %mul3A_118, %add3A_119 : i32
      %add3A_121 = vector.broadcast %add3A_120 : i32 to vector<16xi32>
      %add3A_122 = arith.addi %add3A_121, %iota3A : vector<16xi32>
      %gather3A_123 = tpu.vector_load_idx %arg8[%add3A_122] : memref<25600xi32, #tpu.memory_space<vmem>>[vector<16xi32>], vector<16xi32>,
      %swap3A_124 = arith.constant 0 : i32
      %swap3A_125 = arith.index_cast %swap3A_124 : i32 to index
      %swap3A_126 = arith.constant 16 : index
      %swap3A_127 = tpu.vector_load %arg11[%swap3A_125, %swap3A_126] {strides = array<i32>} : memref<1x128xi32, #tpu.memory_space<vmem>>, vector<16xi32>,
      tpu.vector_store %arg11[%swap3A_125, %swap3A_126], %gather3A_123 {strides = array<i32>} : memref<1x128xi32, #tpu.memory_space<vmem>>, vector<16xi32>,
      %mul3A_128 = arith.constant 128 : i32
      %mul3A_129 = arith.muli %add3A_105, %mul3A_128 : i32
      %add3A_130 = arith.constant 32 : i32
      %add3A_131 = arith.addi %mul3A_129, %add3A_130 : i32
      %add3A_132 = vector.broadcast %add3A_131 : i32 to vector<16xi32>
      %add3A_133 = arith.addi %add3A_132, %iota3A : vector<16xi32>
      %gather3A_134 = tpu.vector_load_idx %arg8[%add3A_133] : memref<25600xi32, #tpu.memory_space<vmem>>[vector<16xi32>], vector<16xi32>,
      %swap3A_135 = arith.constant 0 : i32
      %swap3A_136 = arith.index_cast %swap3A_135 : i32 to index
      %swap3A_137 = arith.constant 32 : index
      %swap3A_138 = tpu.vector_load %arg11[%swap3A_136, %swap3A_137] {strides = array<i32>} : memref<1x128xi32, #tpu.memory_space<vmem>>, vector<16xi32>,
      tpu.vector_store %arg11[%swap3A_136, %swap3A_137], %gather3A_134 {strides = array<i32>} : memref<1x128xi32, #tpu.memory_space<vmem>>, vector<16xi32>,
      %mul3A_139 = arith.constant 128 : i32
      %mul3A_140 = arith.muli %add3A_105, %mul3A_139 : i32
      %add3A_141 = arith.constant 48 : i32
      %add3A_142 = arith.addi %mul3A_140, %add3A_141 : i32
      %add3A_143 = vector.broadcast %add3A_142 : i32 to vector<16xi32>
      %add3A_144 = arith.addi %add3A_143, %iota3A : vector<16xi32>
      %gather3A_145 = tpu.vector_load_idx %arg8[%add3A_144] : memref<25600xi32, #tpu.memory_space<vmem>>[vector<16xi32>], vector<16xi32>,
      %swap3A_146 = arith.constant 0 : i32
      %swap3A_147 = arith.index_cast %swap3A_146 : i32 to index
      %swap3A_148 = arith.constant 48 : index
      %swap3A_149 = tpu.vector_load %arg11[%swap3A_147, %swap3A_148] {strides = array<i32>} : memref<1x128xi32, #tpu.memory_space<vmem>>, vector<16xi32>,
      tpu.vector_store %arg11[%swap3A_147, %swap3A_148], %gather3A_145 {strides = array<i32>} : memref<1x128xi32, #tpu.memory_space<vmem>>, vector<16xi32>,
      %mul3A_150 = arith.constant 128 : i32
      %mul3A_151 = arith.muli %add3A_105, %mul3A_150 : i32
      %add3A_152 = arith.constant 64 : i32
      %add3A_153 = arith.addi %mul3A_151, %add3A_152 : i32
      %add3A_154 = vector.broadcast %add3A_153 : i32 to vector<16xi32>
      %add3A_155 = arith.addi %add3A_154, %iota3A : vector<16xi32>
      %gather3A_156 = tpu.vector_load_idx %arg8[%add3A_155] : memref<25600xi32, #tpu.memory_space<vmem>>[vector<16xi32>], vector<16xi32>,
      %swap3A_157 = arith.constant 0 : i32
      %swap3A_158 = arith.index_cast %swap3A_157 : i32 to index
      %swap3A_159 = arith.constant 64 : index
      %swap3A_160 = tpu.vector_load %arg11[%swap3A_158, %swap3A_159] {strides = array<i32>} : memref<1x128xi32, #tpu.memory_space<vmem>>, vector<16xi32>,
      tpu.vector_store %arg11[%swap3A_158, %swap3A_159], %gather3A_156 {strides = array<i32>} : memref<1x128xi32, #tpu.memory_space<vmem>>, vector<16xi32>,
      %mul3A_161 = arith.constant 128 : i32
      %mul3A_162 = arith.muli %add3A_105, %mul3A_161 : i32
      %add3A_163 = arith.constant 80 : i32
      %add3A_164 = arith.addi %mul3A_162, %add3A_163 : i32
      %add3A_165 = vector.broadcast %add3A_164 : i32 to vector<16xi32>
      %add3A_166 = arith.addi %add3A_165, %iota3A : vector<16xi32>
      %gather3A_167 = tpu.vector_load_idx %arg8[%add3A_166] : memref<25600xi32, #tpu.memory_space<vmem>>[vector<16xi32>], vector<16xi32>,
      %swap3A_168 = arith.constant 0 : i32
      %swap3A_169 = arith.index_cast %swap3A_168 : i32 to index
      %swap3A_170 = arith.constant 80 : index
      %swap3A_171 = tpu.vector_load %arg11[%swap3A_169, %swap3A_170] {strides = array<i32>} : memref<1x128xi32, #tpu.memory_space<vmem>>, vector<16xi32>,
      tpu.vector_store %arg11[%swap3A_169, %swap3A_170], %gather3A_167 {strides = array<i32>} : memref<1x128xi32, #tpu.memory_space<vmem>>, vector<16xi32>,
      %mul3A_172 = arith.constant 128 : i32
      %mul3A_173 = arith.muli %add3A_105, %mul3A_172 : i32
      %add3A_174 = arith.constant 96 : i32
      %add3A_175 = arith.addi %mul3A_173, %add3A_174 : i32
      %add3A_176 = vector.broadcast %add3A_175 : i32 to vector<16xi32>
      %add3A_177 = arith.addi %add3A_176, %iota3A : vector<16xi32>
      %gather3A_178 = tpu.vector_load_idx %arg8[%add3A_177] : memref<25600xi32, #tpu.memory_space<vmem>>[vector<16xi32>], vector<16xi32>,
      %swap3A_179 = arith.constant 0 : i32
      %swap3A_180 = arith.index_cast %swap3A_179 : i32 to index
      %swap3A_181 = arith.constant 96 : index
      %swap3A_182 = tpu.vector_load %arg11[%swap3A_180, %swap3A_181] {strides = array<i32>} : memref<1x128xi32, #tpu.memory_space<vmem>>, vector<16xi32>,
      tpu.vector_store %arg11[%swap3A_180, %swap3A_181], %gather3A_178 {strides = array<i32>} : memref<1x128xi32, #tpu.memory_space<vmem>>, vector<16xi32>,
      %mul3A_183 = arith.constant 128 : i32
      %mul3A_184 = arith.muli %add3A_105, %mul3A_183 : i32
      %add3A_185 = arith.constant 112 : i32
      %add3A_186 = arith.addi %mul3A_184, %add3A_185 : i32
      %add3A_187 = vector.broadcast %add3A_186 : i32 to vector<16xi32>
      %add3A_188 = arith.addi %add3A_187, %iota3A : vector<16xi32>
      %gather3A_189 = tpu.vector_load_idx %arg8[%add3A_188] : memref<25600xi32, #tpu.memory_space<vmem>>[vector<16xi32>], vector<16xi32>,
      %swap3A_190 = arith.constant 0 : i32
      %swap3A_191 = arith.index_cast %swap3A_190 : i32 to index
      %swap3A_192 = arith.constant 112 : index
      %swap3A_193 = tpu.vector_load %arg11[%swap3A_191, %swap3A_192] {strides = array<i32>} : memref<1x128xi32, #tpu.memory_space<vmem>>, vector<16xi32>,
      tpu.vector_store %arg11[%swap3A_191, %swap3A_192], %gather3A_189 {strides = array<i32>} : memref<1x128xi32, #tpu.memory_space<vmem>>, vector<16xi32>,
      %dma_start3A_194 = arith.constant 0 : i32
      %dma_start3A_195 = arith.constant 0 : i32
      %dma_start3A_196 = arith.constant 0 : i32
      %dma_start3A_197 = tpu.memref_slice %arg13[%dma_start3A_195, %dma_start3A_196] : memref<128x64xf32, #tpu.memory_space<vmem>> -> memref<128x64xf32, #tpu.memory_space<vmem>>
      %dma_start3A_198 = arith.constant 0 : i32
      %dma_start3A_199 = tpu.memref_slice %arg11[%dma_start3A_194, %dma_start3A_198] : memref<1x128xi32, #tpu.memory_space<vmem>> -> memref<1x128xi32, #tpu.memory_space<vmem>>
      %dma_start3A_200 = tpu.memref_squeeze %dma_start3A_199 : memref<1x128xi32, #tpu.memory_space<vmem>> -> memref<128xi32, #tpu.memory_space<vmem>>
      %dma_start3A_201 = arith.constant 0 : i32
      %dma_start3A_202 = arith.constant 0 : i32
      %dma_start3A_203 = tpu.memref_slice %arg4[%dma_start3A_201, %dma_start3A_202] : memref<1000000x64xf32, #tpu.memory_space<hbm>> -> memref<1000000x64xf32, #tpu.memory_space<hbm>>
      tpu.enqueue_indirect_dma source(%dma_start3A_203 : memref<1000000x64xf32, #tpu.memory_space<hbm>>) target(%dma_start3A_197 : memref<128x64xf32, #tpu.memory_space<vmem>>) offsets(%dma_start3A_200 : memref<128xi32, #tpu.memory_space<vmem>>) semaphore(%arg18 : memref<!tpu.dma_semaphore, #tpu.memory_space<semaphore_mem>>)
      %dma_wait3A_204 = arith.constant 0 : i32
      %dma_wait3A_205 = arith.constant 0 : i32
      %dma_wait3A_206 = tpu.memref_slice %arg4[%dma_wait3A_204, %dma_wait3A_205] : memref<1000000x64xf32, #tpu.memory_space<hbm>> -> memref<128x64xf32, #tpu.memory_space<hbm>>
      %dma_wait3A_207 = arith.constant 0 : i32
      %dma_wait3A_208 = arith.constant 0 : i32
      %dma_wait3A_209 = tpu.memref_slice %arg4[%dma_wait3A_207, %dma_wait3A_208] : memref<1000000x64xf32, #tpu.memory_space<hbm>> -> memref<128x64xf32, #tpu.memory_space<hbm>>
      tpu.wait_dma2 semaphore(%arg17 : memref<!tpu.dma_semaphore, #tpu.memory_space<semaphore_mem>>) src(%dma_wait3A_209 : memref<128x64xf32, #tpu.memory_space<hbm>>) dst(%arg12 : memref<128x64xf32, #tpu.memory_space<vmem>>)
      %ge3A = arith.constant 1 : i32
      %ge3A_210 = arith.cmpi sge, %scan3A_97, %ge3A : i32
      %convert_element_type3A = arith.extui %ge3A_210 : i1 to i32
      %cond3A = arith.constant 0 : i32
      %cond3A_211 = arith.cmpi ne, %convert_element_type3A, %cond3A : i32
      scf.if %cond3A_211 {
        %dma_wait3A_253 = arith.constant 0 : i32
        %dma_wait3A_254 = tpu.memref_slice %arg5[%dma_wait3A_253] : memref<819200xf32, #tpu.memory_space<hbm>> -> memref<128xf32, #tpu.memory_space<hbm>>
        %dma_wait3A_255 = arith.constant 0 : i32
        %dma_wait3A_256 = tpu.memref_slice %arg5[%dma_wait3A_255] : memref<819200xf32, #tpu.memory_space<hbm>> -> memref<128xf32, #tpu.memory_space<hbm>>
        tpu.wait_dma2 semaphore(%arg19 : memref<!tpu.dma_semaphore, #tpu.memory_space<semaphore_mem>>) src(%dma_wait3A_256 : memref<128xf32, #tpu.memory_space<hbm>>) dst(%arg14 : memref<128xf32, #tpu.memory_space<vmem>>)
      } else {
      }
      %scan3A_212 = arith.constant 0 : i32
      %scan3A_213 = arith.constant 8 : i32
      %scan3A_214 = arith.addi %scan3A_212, %scan3A_213 : i32
      %scan3A_215 = arith.constant 1 : i32
      %scan3A_216:2 = scf.for %scan3A_253 = %scan3A_212 to %scan3A_214 step %scan3A_215 iter_args(%scan3A_254 = %scan3A_98, %scan3A_255 = %scan3A_99) -> (vector<16xf32>, vector<16xf32>)  : i32 {
        %mul3A_256 = arith.constant 16 : i32
        %mul3A_257 = arith.muli %scan3A_253, %mul3A_256 : i32
        %add3A_258 = vector.broadcast %mul3A_257 : i32 to vector<16xi32>
        %add3A_259 = arith.addi %add3A_258, %iota3A : vector<16xi32>
        %mul3A_260 = arith.constant 128 : i32
        %mul3A_261 = arith.muli %add3A_103, %mul3A_260 : i32
        %add3A_262 = vector.broadcast %mul3A_261 : i32 to vector<16xi32>
        %add3A_263 = arith.addi %add3A_262, %add3A_259 : vector<16xi32>
        %div3A = arith.constant 50 : i32
        %div3A_264 = vector.broadcast %div3A : i32 to vector<16xi32>
        %div3A_265 = arith.divsi %add3A_263, %div3A_264 : vector<16xi32>
        %mul3A_266 = arith.constant 64 : i32
        %mul3A_267 = vector.broadcast %mul3A_266 : i32 to vector<16xi32>
        %mul3A_268 = arith.muli %div3A_265, %mul3A_267 : vector<16xi32>
        %broadcast_in_dim3A_269 = arith.constant 0 : i32
        %broadcast_in_dim3A_270 = vector.broadcast %broadcast_in_dim3A_269 : i32 to vector<16xi32>
        %broadcast_in_dim3A_271 = arith.constant 0.000000e+00 : f32
        %broadcast_in_dim3A_272 = vector.broadcast %broadcast_in_dim3A_271 : f32 to vector<16xf32>
        %scan3A_273 = arith.constant 0 : i32
        %scan3A_274 = arith.constant 16 : i32
        %scan3A_275 = arith.addi %scan3A_273, %scan3A_274 : i32
        %scan3A_276 = arith.constant 1 : i32
        %scan3A_277:3 = scf.for %scan3A_279 = %scan3A_273 to %scan3A_275 step %scan3A_276 iter_args(%scan3A_280 = %broadcast_in_dim3A_272, %scan3A_281 = %scan3A_254, %scan3A_282 = %scan3A_255) -> (vector<16xf32>, vector<16xf32>, vector<16xf32>)  : i32 {
          %mul3A_283 = arith.constant 4 : i32
          %mul3A_284 = arith.muli %scan3A_279, %mul3A_283 : i32
          %add3A_285 = arith.constant 0 : i32
          %add3A_286 = arith.addi %mul3A_284, %add3A_285 : i32
          %add3A_287 = vector.broadcast %add3A_286 : i32 to vector<16xi32>
          %add3A_288 = arith.addi %broadcast_in_dim3A_270, %add3A_287 : vector<16xi32>
          %gather3A_289 = tpu.vector_load_idx %arg12[%add3A_259, %add3A_288] : memref<128x64xf32, #tpu.memory_space<vmem>>[vector<16xi32>, vector<16xi32>], vector<16xf32>,
          %add3A_290 = vector.broadcast %add3A_286 : i32 to vector<16xi32>
          %add3A_291 = arith.addi %mul3A_268, %add3A_290 : vector<16xi32>
          %gather3A_292 = tpu.vector_load_idx %arg9[%add3A_291] : memref<32768xf32, #tpu.memory_space<vmem>>[vector<16xi32>], vector<16xf32>,
          %mul3A_293 = arith.mulf %gather3A_292, %gather3A_289 : vector<16xf32>
          %add3A_294 = arith.addf %scan3A_280, %mul3A_293 : vector<16xf32>
          %mul3A_295 = arith.mulf %gather3A_292, %gather3A_292 : vector<16xf32>
          %add3A_296 = arith.addf %scan3A_281, %mul3A_295 : vector<16xf32>
          %mul3A_297 = arith.mulf %gather3A_289, %gather3A_289 : vector<16xf32>
          %add3A_298 = arith.addf %scan3A_282, %mul3A_297 : vector<16xf32>
          %mul3A_299 = arith.constant 4 : i32
          %mul3A_300 = arith.muli %scan3A_279, %mul3A_299 : i32
          %add3A_301 = arith.constant 1 : i32
          %add3A_302 = arith.addi %mul3A_300, %add3A_301 : i32
          %add3A_303 = vector.broadcast %add3A_302 : i32 to vector<16xi32>
          %add3A_304 = arith.addi %broadcast_in_dim3A_270, %add3A_303 : vector<16xi32>
          %gather3A_305 = tpu.vector_load_idx %arg12[%add3A_259, %add3A_304] : memref<128x64xf32, #tpu.memory_space<vmem>>[vector<16xi32>, vector<16xi32>], vector<16xf32>,
          %add3A_306 = vector.broadcast %add3A_302 : i32 to vector<16xi32>
          %add3A_307 = arith.addi %mul3A_268, %add3A_306 : vector<16xi32>
          %gather3A_308 = tpu.vector_load_idx %arg9[%add3A_307] : memref<32768xf32, #tpu.memory_space<vmem>>[vector<16xi32>], vector<16xf32>,
          %mul3A_309 = arith.mulf %gather3A_308, %gather3A_305 : vector<16xf32>
          %add3A_310 = arith.addf %add3A_294, %mul3A_309 : vector<16xf32>
          %mul3A_311 = arith.mulf %gather3A_308, %gather3A_308 : vector<16xf32>
          %add3A_312 = arith.addf %add3A_296, %mul3A_311 : vector<16xf32>
          %mul3A_313 = arith.mulf %gather3A_305, %gather3A_305 : vector<16xf32>
          %add3A_314 = arith.addf %add3A_298, %mul3A_313 : vector<16xf32>
          %mul3A_315 = arith.constant 4 : i32
          %mul3A_316 = arith.muli %scan3A_279, %mul3A_315 : i32
          %add3A_317 = arith.constant 2 : i32
          %add3A_318 = arith.addi %mul3A_316, %add3A_317 : i32
          %add3A_319 = vector.broadcast %add3A_318 : i32 to vector<16xi32>
          %add3A_320 = arith.addi %broadcast_in_dim3A_270, %add3A_319 : vector<16xi32>
          %gather3A_321 = tpu.vector_load_idx %arg12[%add3A_259, %add3A_320] : memref<128x64xf32, #tpu.memory_space<vmem>>[vector<16xi32>, vector<16xi32>], vector<16xf32>,
          %add3A_322 = vector.broadcast %add3A_318 : i32 to vector<16xi32>
          %add3A_323 = arith.addi %mul3A_268, %add3A_322 : vector<16xi32>
          %gather3A_324 = tpu.vector_load_idx %arg9[%add3A_323] : memref<32768xf32, #tpu.memory_space<vmem>>[vector<16xi32>], vector<16xf32>,
          %mul3A_325 = arith.mulf %gather3A_324, %gather3A_321 : vector<16xf32>
          %add3A_326 = arith.addf %add3A_310, %mul3A_325 : vector<16xf32>
          %mul3A_327 = arith.mulf %gather3A_324, %gather3A_324 : vector<16xf32>
          %add3A_328 = arith.addf %add3A_312, %mul3A_327 : vector<16xf32>
          %mul3A_329 = arith.mulf %gather3A_321, %gather3A_321 : vector<16xf32>
          %add3A_330 = arith.addf %add3A_314, %mul3A_329 : vector<16xf32>
          %mul3A_331 = arith.constant 4 : i32
          %mul3A_332 = arith.muli %scan3A_279, %mul3A_331 : i32
          %add3A_333 = arith.constant 3 : i32
          %add3A_334 = arith.addi %mul3A_332, %add3A_333 : i32
          %add3A_335 = vector.broadcast %add3A_334 : i32 to vector<16xi32>
          %add3A_336 = arith.addi %broadcast_in_dim3A_270, %add3A_335 : vector<16xi32>
          %gather3A_337 = tpu.vector_load_idx %arg12[%add3A_259, %add3A_336] : memref<128x64xf32, #tpu.memory_space<vmem>>[vector<16xi32>, vector<16xi32>], vector<16xf32>,
          %add3A_338 = vector.broadcast %add3A_334 : i32 to vector<16xi32>
          %add3A_339 = arith.addi %mul3A_268, %add3A_338 : vector<16xi32>
          %gather3A_340 = tpu.vector_load_idx %arg9[%add3A_339] : memref<32768xf32, #tpu.memory_space<vmem>>[vector<16xi32>], vector<16xf32>,
          %mul3A_341 = arith.mulf %gather3A_340, %gather3A_337 : vector<16xf32>
          %add3A_342 = arith.addf %add3A_326, %mul3A_341 : vector<16xf32>
          %mul3A_343 = arith.mulf %gather3A_340, %gather3A_340 : vector<16xf32>
          %add3A_344 = arith.addf %add3A_328, %mul3A_343 : vector<16xf32>
          %mul3A_345 = arith.mulf %gather3A_337, %gather3A_337 : vector<16xf32>
          %add3A_346 = arith.addf %add3A_330, %mul3A_345 : vector<16xf32>
          scf.yield %add3A_342, %add3A_344, %add3A_346 : vector<16xf32>, vector<16xf32>, vector<16xf32>
        }
        %scan3A_278 = arith.constant 16 : i32
        tpu.vector_store_idx %arg14[%add3A_259], %scan3A_277#0 : memref<128xf32, #tpu.memory_space<vmem>>[vector<16xi32>], vector<16xf32>,
        scf.yield %scan3A_277#1, %scan3A_277#2 : vector<16xf32>, vector<16xf32>
      }
      %scan3A_217 = arith.constant 8 : i32
      %mul3A_218 = arith.constant 128 : i32
      %mul3A_219 = arith.muli %add3A_103, %mul3A_218 : i32
      %add3A_220 = arith.addi %mul3A_2, %mul3A_219 : i32
      %dma_start3A_221 = tpu.memref_slice %arg5[%add3A_220] : memref<819200xf32, #tpu.memory_space<hbm>> -> memref<128xf32, #tpu.memory_space<hbm>>
      %dma_start3A_222 = tpu.memref_slice %arg5[%add3A_220] : memref<819200xf32, #tpu.memory_space<hbm>> -> memref<128xf32, #tpu.memory_space<hbm>>
      tpu.enqueue_dma source(%arg14 : memref<128xf32, #tpu.memory_space<vmem>>) target(%dma_start3A_222 : memref<128xf32, #tpu.memory_space<hbm>>) target_semaphore(%arg19 : memref<!tpu.dma_semaphore, #tpu.memory_space<semaphore_mem>>)
      %mul3A_223 = arith.constant 2 : i32
      %mul3A_224 = arith.muli %mul3A_223, %scan3A_97 : i32
      %add3A_225 = arith.constant 1 : i32
      %add3A_226 = arith.addi %mul3A_224, %add3A_225 : i32
      %lt3A = arith.constant 99 : i32
      %lt3A_227 = arith.cmpi slt, %scan3A_97, %lt3A : i32
      %convert_element_type3A_228 = arith.extui %lt3A_227 : i1 to i32
      %cond3A_229 = arith.constant 0 : i32
      %cond3A_230 = arith.cmpi ne, %convert_element_type3A_228, %cond3A_229 : i32
      scf.if %cond3A_230 {
        %add3A_253 = arith.constant 1 : i32
        %add3A_254 = arith.addi %add3A_226, %add3A_253 : i32
        %mul3A_255 = arith.constant 128 : i32
        %mul3A_256 = arith.muli %add3A_254, %mul3A_255 : i32
        %add3A_257 = arith.constant 0 : i32
        %add3A_258 = arith.addi %mul3A_256, %add3A_257 : i32
        %add3A_259 = vector.broadcast %add3A_258 : i32 to vector<16xi32>
        %add3A_260 = arith.addi %add3A_259, %iota3A : vector<16xi32>
        %gather3A_261 = tpu.vector_load_idx %arg8[%add3A_260] : memref<25600xi32, #tpu.memory_space<vmem>>[vector<16xi32>], vector<16xi32>,
        %swap3A_262 = arith.constant 0 : i32
        %swap3A_263 = arith.index_cast %swap3A_262 : i32 to index
        %swap3A_264 = arith.constant 0 : index
        %swap3A_265 = tpu.vector_load %arg10[%swap3A_263, %swap3A_264] {strides = array<i32>} : memref<1x128xi32, #tpu.memory_space<vmem>>, vector<16xi32>,
        tpu.vector_store %arg10[%swap3A_263, %swap3A_264], %gather3A_261 {strides = array<i32>} : memref<1x128xi32, #tpu.memory_space<vmem>>, vector<16xi32>,
        %mul3A_266 = arith.constant 128 : i32
        %mul3A_267 = arith.muli %add3A_254, %mul3A_266 : i32
        %add3A_268 = arith.constant 16 : i32
        %add3A_269 = arith.addi %mul3A_267, %add3A_268 : i32
        %add3A_270 = vector.broadcast %add3A_269 : i32 to vector<16xi32>
        %add3A_271 = arith.addi %add3A_270, %iota3A : vector<16xi32>
        %gather3A_272 = tpu.vector_load_idx %arg8[%add3A_271] : memref<25600xi32, #tpu.memory_space<vmem>>[vector<16xi32>], vector<16xi32>,
        %swap3A_273 = arith.constant 0 : i32
        %swap3A_274 = arith.index_cast %swap3A_273 : i32 to index
        %swap3A_275 = arith.constant 16 : index
        %swap3A_276 = tpu.vector_load %arg10[%swap3A_274, %swap3A_275] {strides = array<i32>} : memref<1x128xi32, #tpu.memory_space<vmem>>, vector<16xi32>,
        tpu.vector_store %arg10[%swap3A_274, %swap3A_275], %gather3A_272 {strides = array<i32>} : memref<1x128xi32, #tpu.memory_space<vmem>>, vector<16xi32>,
        %mul3A_277 = arith.constant 128 : i32
        %mul3A_278 = arith.muli %add3A_254, %mul3A_277 : i32
        %add3A_279 = arith.constant 32 : i32
        %add3A_280 = arith.addi %mul3A_278, %add3A_279 : i32
        %add3A_281 = vector.broadcast %add3A_280 : i32 to vector<16xi32>
        %add3A_282 = arith.addi %add3A_281, %iota3A : vector<16xi32>
        %gather3A_283 = tpu.vector_load_idx %arg8[%add3A_282] : memref<25600xi32, #tpu.memory_space<vmem>>[vector<16xi32>], vector<16xi32>,
        %swap3A_284 = arith.constant 0 : i32
        %swap3A_285 = arith.index_cast %swap3A_284 : i32 to index
        %swap3A_286 = arith.constant 32 : index
        %swap3A_287 = tpu.vector_load %arg10[%swap3A_285, %swap3A_286] {strides = array<i32>} : memref<1x128xi32, #tpu.memory_space<vmem>>, vector<16xi32>,
        tpu.vector_store %arg10[%swap3A_285, %swap3A_286], %gather3A_283 {strides = array<i32>} : memref<1x128xi32, #tpu.memory_space<vmem>>, vector<16xi32>,
        %mul3A_288 = arith.constant 128 : i32
        %mul3A_289 = arith.muli %add3A_254, %mul3A_288 : i32
        %add3A_290 = arith.constant 48 : i32
        %add3A_291 = arith.addi %mul3A_289, %add3A_290 : i32
        %add3A_292 = vector.broadcast %add3A_291 : i32 to vector<16xi32>
        %add3A_293 = arith.addi %add3A_292, %iota3A : vector<16xi32>
        %gather3A_294 = tpu.vector_load_idx %arg8[%add3A_293] : memref<25600xi32, #tpu.memory_space<vmem>>[vector<16xi32>], vector<16xi32>,
        %swap3A_295 = arith.constant 0 : i32
        %swap3A_296 = arith.index_cast %swap3A_295 : i32 to index
        %swap3A_297 = arith.constant 48 : index
        %swap3A_298 = tpu.vector_load %arg10[%swap3A_296, %swap3A_297] {strides = array<i32>} : memref<1x128xi32, #tpu.memory_space<vmem>>, vector<16xi32>,
        tpu.vector_store %arg10[%swap3A_296, %swap3A_297], %gather3A_294 {strides = array<i32>} : memref<1x128xi32, #tpu.memory_space<vmem>>, vector<16xi32>,
        %mul3A_299 = arith.constant 128 : i32
        %mul3A_300 = arith.muli %add3A_254, %mul3A_299 : i32
        %add3A_301 = arith.constant 64 : i32
        %add3A_302 = arith.addi %mul3A_300, %add3A_301 : i32
        %add3A_303 = vector.broadcast %add3A_302 : i32 to vector<16xi32>
        %add3A_304 = arith.addi %add3A_303, %iota3A : vector<16xi32>
        %gather3A_305 = tpu.vector_load_idx %arg8[%add3A_304] : memref<25600xi32, #tpu.memory_space<vmem>>[vector<16xi32>], vector<16xi32>,
        %swap3A_306 = arith.constant 0 : i32
        %swap3A_307 = arith.index_cast %swap3A_306 : i32 to index
        %swap3A_308 = arith.constant 64 : index
        %swap3A_309 = tpu.vector_load %arg10[%swap3A_307, %swap3A_308] {strides = array<i32>} : memref<1x128xi32, #tpu.memory_space<vmem>>, vector<16xi32>,
        tpu.vector_store %arg10[%swap3A_307, %swap3A_308], %gather3A_305 {strides = array<i32>} : memref<1x128xi32, #tpu.memory_space<vmem>>, vector<16xi32>,
        %mul3A_310 = arith.constant 128 : i32
        %mul3A_311 = arith.muli %add3A_254, %mul3A_310 : i32
        %add3A_312 = arith.constant 80 : i32
        %add3A_313 = arith.addi %mul3A_311, %add3A_312 : i32
        %add3A_314 = vector.broadcast %add3A_313 : i32 to vector<16xi32>
        %add3A_315 = arith.addi %add3A_314, %iota3A : vector<16xi32>
        %gather3A_316 = tpu.vector_load_idx %arg8[%add3A_315] : memref<25600xi32, #tpu.memory_space<vmem>>[vector<16xi32>], vector<16xi32>,
        %swap3A_317 = arith.constant 0 : i32
        %swap3A_318 = arith.index_cast %swap3A_317 : i32 to index
        %swap3A_319 = arith.constant 80 : index
        %swap3A_320 = tpu.vector_load %arg10[%swap3A_318, %swap3A_319] {strides = array<i32>} : memref<1x128xi32, #tpu.memory_space<vmem>>, vector<16xi32>,
        tpu.vector_store %arg10[%swap3A_318, %swap3A_319], %gather3A_316 {strides = array<i32>} : memref<1x128xi32, #tpu.memory_space<vmem>>, vector<16xi32>,
        %mul3A_321 = arith.constant 128 : i32
        %mul3A_322 = arith.muli %add3A_254, %mul3A_321 : i32
        %add3A_323 = arith.constant 96 : i32
        %add3A_324 = arith.addi %mul3A_322, %add3A_323 : i32
        %add3A_325 = vector.broadcast %add3A_324 : i32 to vector<16xi32>
        %add3A_326 = arith.addi %add3A_325, %iota3A : vector<16xi32>
        %gather3A_327 = tpu.vector_load_idx %arg8[%add3A_326] : memref<25600xi32, #tpu.memory_space<vmem>>[vector<16xi32>], vector<16xi32>,
        %swap3A_328 = arith.constant 0 : i32
        %swap3A_329 = arith.index_cast %swap3A_328 : i32 to index
        %swap3A_330 = arith.constant 96 : index
        %swap3A_331 = tpu.vector_load %arg10[%swap3A_329, %swap3A_330] {strides = array<i32>} : memref<1x128xi32, #tpu.memory_space<vmem>>, vector<16xi32>,
        tpu.vector_store %arg10[%swap3A_329, %swap3A_330], %gather3A_327 {strides = array<i32>} : memref<1x128xi32, #tpu.memory_space<vmem>>, vector<16xi32>,
        %mul3A_332 = arith.constant 128 : i32
        %mul3A_333 = arith.muli %add3A_254, %mul3A_332 : i32
        %add3A_334 = arith.constant 112 : i32
        %add3A_335 = arith.addi %mul3A_333, %add3A_334 : i32
        %add3A_336 = vector.broadcast %add3A_335 : i32 to vector<16xi32>
        %add3A_337 = arith.addi %add3A_336, %iota3A : vector<16xi32>
        %gather3A_338 = tpu.vector_load_idx %arg8[%add3A_337] : memref<25600xi32, #tpu.memory_space<vmem>>[vector<16xi32>], vector<16xi32>,
        %swap3A_339 = arith.constant 0 : i32
        %swap3A_340 = arith.index_cast %swap3A_339 : i32 to index
        %swap3A_341 = arith.constant 112 : index
        %swap3A_342 = tpu.vector_load %arg10[%swap3A_340, %swap3A_341] {strides = array<i32>} : memref<1x128xi32, #tpu.memory_space<vmem>>, vector<16xi32>,
        tpu.vector_store %arg10[%swap3A_340, %swap3A_341], %gather3A_338 {strides = array<i32>} : memref<1x128xi32, #tpu.memory_space<vmem>>, vector<16xi32>,
        %dma_start3A_343 = arith.constant 0 : i32
        %dma_start3A_344 = arith.constant 0 : i32
        %dma_start3A_345 = arith.constant 0 : i32
        %dma_start3A_346 = tpu.memref_slice %arg12[%dma_start3A_344, %dma_start3A_345] : memref<128x64xf32, #tpu.memory_space<vmem>> -> memref<128x64xf32, #tpu.memory_space<vmem>>
        %dma_start3A_347 = arith.constant 0 : i32
        %dma_start3A_348 = tpu.memref_slice %arg10[%dma_start3A_343, %dma_start3A_347] : memref<1x128xi32, #tpu.memory_space<vmem>> -> memref<1x128xi32, #tpu.memory_space<vmem>>
        %dma_start3A_349 = tpu.memref_squeeze %dma_start3A_348 : memref<1x128xi32, #tpu.memory_space<vmem>> -> memref<128xi32, #tpu.memory_space<vmem>>
        %dma_start3A_350 = arith.constant 0 : i32
        %dma_start3A_351 = arith.constant 0 : i32
        %dma_start3A_352 = tpu.memref_slice %arg4[%dma_start3A_350, %dma_start3A_351] : memref<1000000x64xf32, #tpu.memory_space<hbm>> -> memref<1000000x64xf32, #tpu.memory_space<hbm>>
        tpu.enqueue_indirect_dma source(%dma_start3A_352 : memref<1000000x64xf32, #tpu.memory_space<hbm>>) target(%dma_start3A_346 : memref<128x64xf32, #tpu.memory_space<vmem>>) offsets(%dma_start3A_349 : memref<128xi32, #tpu.memory_space<vmem>>) semaphore(%arg17 : memref<!tpu.dma_semaphore, #tpu.memory_space<semaphore_mem>>)
      } else {
      }
      %dma_wait3A_231 = arith.constant 0 : i32
      %dma_wait3A_232 = arith.constant 0 : i32
      %dma_wait3A_233 = tpu.memref_slice %arg4[%dma_wait3A_231, %dma_wait3A_232] : memref<1000000x64xf32, #tpu.memory_space<hbm>> -> memref<128x64xf32, #tpu.memory_space<hbm>>
      %dma_wait3A_234 = arith.constant 0 : i32
      %dma_wait3A_235 = arith.constant 0 : i32
      %dma_wait3A_236 = tpu.memref_slice %arg4[%dma_wait3A_234, %dma_wait3A_235] : memref<1000000x64xf32, #tpu.memory_space<hbm>> -> memref<128x64xf32, #tpu.memory_space<hbm>>
      tpu.wait_dma2 semaphore(%arg18 : memref<!tpu.dma_semaphore, #tpu.memory_space<semaphore_mem>>) src(%dma_wait3A_236 : memref<128x64xf32, #tpu.memory_space<hbm>>) dst(%arg13 : memref<128x64xf32, #tpu.memory_space<vmem>>)
      %ge3A_237 = arith.constant 1 : i32
      %ge3A_238 = arith.cmpi sge, %scan3A_97, %ge3A_237 : i32
      %convert_element_type3A_239 = arith.extui %ge3A_238 : i1 to i32
      %cond3A_240 = arith.constant 0 : i32
      %cond3A_241 = arith.cmpi ne, %convert_element_type3A_239, %cond3A_240 : i32
      scf.if %cond3A_241 {
        %dma_wait3A_253 = arith.constant 0 : i32
        %dma_wait3A_254 = tpu.memref_slice %arg5[%dma_wait3A_253] : memref<819200xf32, #tpu.memory_space<hbm>> -> memref<128xf32, #tpu.memory_space<hbm>>
        %dma_wait3A_255 = arith.constant 0 : i32
        %dma_wait3A_256 = tpu.memref_slice %arg5[%dma_wait3A_255] : memref<819200xf32, #tpu.memory_space<hbm>> -> memref<128xf32, #tpu.memory_space<hbm>>
        tpu.wait_dma2 semaphore(%arg20 : memref<!tpu.dma_semaphore, #tpu.memory_space<semaphore_mem>>) src(%dma_wait3A_256 : memref<128xf32, #tpu.memory_space<hbm>>) dst(%arg15 : memref<128xf32, #tpu.memory_space<vmem>>)
      } else {
      }
      %scan3A_242 = arith.constant 0 : i32
      %scan3A_243 = arith.constant 8 : i32
      %scan3A_244 = arith.addi %scan3A_242, %scan3A_243 : i32
      %scan3A_245 = arith.constant 1 : i32
      %scan3A_246:2 = scf.for %scan3A_253 = %scan3A_242 to %scan3A_244 step %scan3A_245 iter_args(%scan3A_254 = %scan3A_216#0, %scan3A_255 = %scan3A_216#1) -> (vector<16xf32>, vector<16xf32>)  : i32 {
        %mul3A_256 = arith.constant 16 : i32
        %mul3A_257 = arith.muli %scan3A_253, %mul3A_256 : i32
        %add3A_258 = vector.broadcast %mul3A_257 : i32 to vector<16xi32>
        %add3A_259 = arith.addi %add3A_258, %iota3A : vector<16xi32>
        %mul3A_260 = arith.constant 128 : i32
        %mul3A_261 = arith.muli %add3A_226, %mul3A_260 : i32
        %add3A_262 = vector.broadcast %mul3A_261 : i32 to vector<16xi32>
        %add3A_263 = arith.addi %add3A_262, %add3A_259 : vector<16xi32>
        %div3A = arith.constant 50 : i32
        %div3A_264 = vector.broadcast %div3A : i32 to vector<16xi32>
        %div3A_265 = arith.divsi %add3A_263, %div3A_264 : vector<16xi32>
        %mul3A_266 = arith.constant 64 : i32
        %mul3A_267 = vector.broadcast %mul3A_266 : i32 to vector<16xi32>
        %mul3A_268 = arith.muli %div3A_265, %mul3A_267 : vector<16xi32>
        %broadcast_in_dim3A_269 = arith.constant 0 : i32
        %broadcast_in_dim3A_270 = vector.broadcast %broadcast_in_dim3A_269 : i32 to vector<16xi32>
        %broadcast_in_dim3A_271 = arith.constant 0.000000e+00 : f32
        %broadcast_in_dim3A_272 = vector.broadcast %broadcast_in_dim3A_271 : f32 to vector<16xf32>
        %scan3A_273 = arith.constant 0 : i32
        %scan3A_274 = arith.constant 16 : i32
        %scan3A_275 = arith.addi %scan3A_273, %scan3A_274 : i32
        %scan3A_276 = arith.constant 1 : i32
        %scan3A_277:3 = scf.for %scan3A_279 = %scan3A_273 to %scan3A_275 step %scan3A_276 iter_args(%scan3A_280 = %broadcast_in_dim3A_272, %scan3A_281 = %scan3A_254, %scan3A_282 = %scan3A_255) -> (vector<16xf32>, vector<16xf32>, vector<16xf32>)  : i32 {
          %mul3A_283 = arith.constant 4 : i32
          %mul3A_284 = arith.muli %scan3A_279, %mul3A_283 : i32
          %add3A_285 = arith.constant 0 : i32
          %add3A_286 = arith.addi %mul3A_284, %add3A_285 : i32
          %add3A_287 = vector.broadcast %add3A_286 : i32 to vector<16xi32>
          %add3A_288 = arith.addi %broadcast_in_dim3A_270, %add3A_287 : vector<16xi32>
          %gather3A_289 = tpu.vector_load_idx %arg13[%add3A_259, %add3A_288] : memref<128x64xf32, #tpu.memory_space<vmem>>[vector<16xi32>, vector<16xi32>], vector<16xf32>,
          %add3A_290 = vector.broadcast %add3A_286 : i32 to vector<16xi32>
          %add3A_291 = arith.addi %mul3A_268, %add3A_290 : vector<16xi32>
          %gather3A_292 = tpu.vector_load_idx %arg9[%add3A_291] : memref<32768xf32, #tpu.memory_space<vmem>>[vector<16xi32>], vector<16xf32>,
          %mul3A_293 = arith.mulf %gather3A_292, %gather3A_289 : vector<16xf32>
          %add3A_294 = arith.addf %scan3A_280, %mul3A_293 : vector<16xf32>
          %mul3A_295 = arith.mulf %gather3A_292, %gather3A_292 : vector<16xf32>
          %add3A_296 = arith.addf %scan3A_281, %mul3A_295 : vector<16xf32>
          %mul3A_297 = arith.mulf %gather3A_289, %gather3A_289 : vector<16xf32>
          %add3A_298 = arith.addf %scan3A_282, %mul3A_297 : vector<16xf32>
          %mul3A_299 = arith.constant 4 : i32
          %mul3A_300 = arith.muli %scan3A_279, %mul3A_299 : i32
          %add3A_301 = arith.constant 1 : i32
          %add3A_302 = arith.addi %mul3A_300, %add3A_301 : i32
          %add3A_303 = vector.broadcast %add3A_302 : i32 to vector<16xi32>
          %add3A_304 = arith.addi %broadcast_in_dim3A_270, %add3A_303 : vector<16xi32>
          %gather3A_305 = tpu.vector_load_idx %arg13[%add3A_259, %add3A_304] : memref<128x64xf32, #tpu.memory_space<vmem>>[vector<16xi32>, vector<16xi32>], vector<16xf32>,
          %add3A_306 = vector.broadcast %add3A_302 : i32 to vector<16xi32>
          %add3A_307 = arith.addi %mul3A_268, %add3A_306 : vector<16xi32>
          %gather3A_308 = tpu.vector_load_idx %arg9[%add3A_307] : memref<32768xf32, #tpu.memory_space<vmem>>[vector<16xi32>], vector<16xf32>,
          %mul3A_309 = arith.mulf %gather3A_308, %gather3A_305 : vector<16xf32>
          %add3A_310 = arith.addf %add3A_294, %mul3A_309 : vector<16xf32>
          %mul3A_311 = arith.mulf %gather3A_308, %gather3A_308 : vector<16xf32>
          %add3A_312 = arith.addf %add3A_296, %mul3A_311 : vector<16xf32>
          %mul3A_313 = arith.mulf %gather3A_305, %gather3A_305 : vector<16xf32>
          %add3A_314 = arith.addf %add3A_298, %mul3A_313 : vector<16xf32>
          %mul3A_315 = arith.constant 4 : i32
          %mul3A_316 = arith.muli %scan3A_279, %mul3A_315 : i32
          %add3A_317 = arith.constant 2 : i32
          %add3A_318 = arith.addi %mul3A_316, %add3A_317 : i32
          %add3A_319 = vector.broadcast %add3A_318 : i32 to vector<16xi32>
          %add3A_320 = arith.addi %broadcast_in_dim3A_270, %add3A_319 : vector<16xi32>
          %gather3A_321 = tpu.vector_load_idx %arg13[%add3A_259, %add3A_320] : memref<128x64xf32, #tpu.memory_space<vmem>>[vector<16xi32>, vector<16xi32>], vector<16xf32>,
          %add3A_322 = vector.broadcast %add3A_318 : i32 to vector<16xi32>
          %add3A_323 = arith.addi %mul3A_268, %add3A_322 : vector<16xi32>
          %gather3A_324 = tpu.vector_load_idx %arg9[%add3A_323] : memref<32768xf32, #tpu.memory_space<vmem>>[vector<16xi32>], vector<16xf32>,
          %mul3A_325 = arith.mulf %gather3A_324, %gather3A_321 : vector<16xf32>
          %add3A_326 = arith.addf %add3A_310, %mul3A_325 : vector<16xf32>
          %mul3A_327 = arith.mulf %gather3A_324, %gather3A_324 : vector<16xf32>
          %add3A_328 = arith.addf %add3A_312, %mul3A_327 : vector<16xf32>
          %mul3A_329 = arith.mulf %gather3A_321, %gather3A_321 : vector<16xf32>
          %add3A_330 = arith.addf %add3A_314, %mul3A_329 : vector<16xf32>
          %mul3A_331 = arith.constant 4 : i32
          %mul3A_332 = arith.muli %scan3A_279, %mul3A_331 : i32
          %add3A_333 = arith.constant 3 : i32
          %add3A_334 = arith.addi %mul3A_332, %add3A_333 : i32
          %add3A_335 = vector.broadcast %add3A_334 : i32 to vector<16xi32>
          %add3A_336 = arith.addi %broadcast_in_dim3A_270, %add3A_335 : vector<16xi32>
          %gather3A_337 = tpu.vector_load_idx %arg13[%add3A_259, %add3A_336] : memref<128x64xf32, #tpu.memory_space<vmem>>[vector<16xi32>, vector<16xi32>], vector<16xf32>,
          %add3A_338 = vector.broadcast %add3A_334 : i32 to vector<16xi32>
          %add3A_339 = arith.addi %mul3A_268, %add3A_338 : vector<16xi32>
          %gather3A_340 = tpu.vector_load_idx %arg9[%add3A_339] : memref<32768xf32, #tpu.memory_space<vmem>>[vector<16xi32>], vector<16xf32>,
          %mul3A_341 = arith.mulf %gather3A_340, %gather3A_337 : vector<16xf32>
          %add3A_342 = arith.addf %add3A_326, %mul3A_341 : vector<16xf32>
          %mul3A_343 = arith.mulf %gather3A_340, %gather3A_340 : vector<16xf32>
          %add3A_344 = arith.addf %add3A_328, %mul3A_343 : vector<16xf32>
          %mul3A_345 = arith.mulf %gather3A_337, %gather3A_337 : vector<16xf32>
          %add3A_346 = arith.addf %add3A_330, %mul3A_345 : vector<16xf32>
          scf.yield %add3A_342, %add3A_344, %add3A_346 : vector<16xf32>, vector<16xf32>, vector<16xf32>
        }
        %scan3A_278 = arith.constant 16 : i32
        tpu.vector_store_idx %arg15[%add3A_259], %scan3A_277#0 : memref<128xf32, #tpu.memory_space<vmem>>[vector<16xi32>], vector<16xf32>,
        scf.yield %scan3A_277#1, %scan3A_277#2 : vector<16xf32>, vector<16xf32>
      }
      %scan3A_247 = arith.constant 8 : i32
      %mul3A_248 = arith.constant 128 : i32
      %mul3A_249 = arith.muli %add3A_226, %mul3A_248 : i32
      %add3A_250 = arith.addi %mul3A_2, %mul3A_249 : i32
      %dma_start3A_251 = tpu.memref_slice %arg5[%add3A_250] : memref<819200xf32, #tpu.memory_space<hbm>> -> memref<128xf32, #tpu.memory_space<hbm>>
      %dma_start3A_252 = tpu.memref_slice %arg5[%add3A_250] : memref<819200xf32, #tpu.memory_space<hbm>> -> memref<128xf32, #tpu.memory_space<hbm>>
      tpu.enqueue_dma source(%arg15 : memref<128xf32, #tpu.memory_space<vmem>>) target(%dma_start3A_252 : memref<128xf32, #tpu.memory_space<hbm>>) target_semaphore(%arg20 : memref<!tpu.dma_semaphore, #tpu.memory_space<semaphore_mem>>)
      scf.yield %scan3A_246#0, %scan3A_246#1 : vector<16xf32>, vector<16xf32>
    }
    %scan3A_81 = arith.constant 100 : i32
    %dma_wait3A = arith.constant 0 : i32
    %dma_wait3A_82 = tpu.memref_slice %arg5[%dma_wait3A] : memref<819200xf32, #tpu.memory_space<hbm>> -> memref<128xf32, #tpu.memory_space<hbm>>
    %dma_wait3A_83 = arith.constant 0 : i32
    %dma_wait3A_84 = tpu.memref_slice %arg5[%dma_wait3A_83] : memref<819200xf32, #tpu.memory_space<hbm>> -> memref<128xf32, #tpu.memory_space<hbm>>
    tpu.wait_dma2 semaphore(%arg19 : memref<!tpu.dma_semaphore, #tpu.memory_space<semaphore_mem>>) src(%dma_wait3A_84 : memref<128xf32, #tpu.memory_space<hbm>>) dst(%arg14 : memref<128xf32, #tpu.memory_space<vmem>>)
    %dma_wait3A_85 = arith.constant 0 : i32
    %dma_wait3A_86 = tpu.memref_slice %arg5[%dma_wait3A_85] : memref<819200xf32, #tpu.memory_space<hbm>> -> memref<128xf32, #tpu.memory_space<hbm>>
    %dma_wait3A_87 = arith.constant 0 : i32
    %dma_wait3A_88 = tpu.memref_slice %arg5[%dma_wait3A_87] : memref<819200xf32, #tpu.memory_space<hbm>> -> memref<128xf32, #tpu.memory_space<hbm>>
    tpu.wait_dma2 semaphore(%arg20 : memref<!tpu.dma_semaphore, #tpu.memory_space<semaphore_mem>>) src(%dma_wait3A_88 : memref<128xf32, #tpu.memory_space<hbm>>) dst(%arg15 : memref<128xf32, #tpu.memory_space<vmem>>)
    %swap3A_89 = arith.constant 0 : index
    %swap3A_90 = tpu.vector_load %arg16[%swap3A_89] {strides = array<i32>} : memref<16xf32, #tpu.memory_space<vmem>>, vector<16xf32>,
    tpu.vector_store %arg16[%swap3A_89], %scan3A_80#0 {strides = array<i32>} : memref<16xf32, #tpu.memory_space<vmem>>, vector<16xf32>,
    %mul3A_91 = arith.constant 16 : i32
    %mul3A_92 = arith.muli %add3A, %mul3A_91 : i32
    "tpu.region"() ({
      %run_scoped3A = tpu.sem_alloc : memref<!tpu.dma_semaphore, #tpu.memory_space<semaphore_mem>>
      %dma_start3A_97 = tpu.memref_slice %arg6[%mul3A_92] : memref<512xf32, #tpu.memory_space<hbm>> -> memref<16xf32, #tpu.memory_space<hbm>>
      %dma_start3A_98 = tpu.memref_slice %arg6[%mul3A_92] : memref<512xf32, #tpu.memory_space<hbm>> -> memref<16xf32, #tpu.memory_space<hbm>>
      tpu.enqueue_dma source(%arg16 : memref<16xf32, #tpu.memory_space<vmem>>) target(%dma_start3A_98 : memref<16xf32, #tpu.memory_space<hbm>>) target_semaphore(%run_scoped3A : memref<!tpu.dma_semaphore, #tpu.memory_space<semaphore_mem>>)
      %dma_wait3A_99 = tpu.memref_slice %arg6[%mul3A_92] : memref<512xf32, #tpu.memory_space<hbm>> -> memref<16xf32, #tpu.memory_space<hbm>>
      %dma_wait3A_100 = tpu.memref_slice %arg6[%mul3A_92] : memref<512xf32, #tpu.memory_space<hbm>> -> memref<16xf32, #tpu.memory_space<hbm>>
      tpu.wait_dma2 semaphore(%run_scoped3A : memref<!tpu.dma_semaphore, #tpu.memory_space<semaphore_mem>>) src(%arg16 : memref<16xf32, #tpu.memory_space<vmem>>) dst(%dma_wait3A_100 : memref<16xf32, #tpu.memory_space<hbm>>)
      tpu.yield
    }) : () -> ()
    %swap3A_93 = arith.constant 0 : index
    %swap3A_94 = tpu.vector_load %arg16[%swap3A_93] {strides = array<i32>} : memref<16xf32, #tpu.memory_space<vmem>>, vector<16xf32>,
    tpu.vector_store %arg16[%swap3A_93], %scan3A_80#1 {strides = array<i32>} : memref<16xf32, #tpu.memory_space<vmem>>, vector<16xf32>,
    %mul3A_95 = arith.constant 16 : i32
    %mul3A_96 = arith.muli %add3A, %mul3A_95 : i32
    "tpu.region"() ({
      %run_scoped3A = tpu.sem_alloc : memref<!tpu.dma_semaphore, #tpu.memory_space<semaphore_mem>>
      %dma_start3A_97 = tpu.memref_slice %arg7[%mul3A_96] : memref<512xf32, #tpu.memory_space<hbm>> -> memref<16xf32, #tpu.memory_space<hbm>>
      %dma_start3A_98 = tpu.memref_slice %arg7[%mul3A_96] : memref<512xf32, #tpu.memory_space<hbm>> -> memref<16xf32, #tpu.memory_space<hbm>>
      tpu.enqueue_dma source(%arg16 : memref<16xf32, #tpu.memory_space<vmem>>) target(%dma_start3A_98 : memref<16xf32, #tpu.memory_space<hbm>>) target_semaphore(%run_scoped3A : memref<!tpu.dma_semaphore, #tpu.memory_space<semaphore_mem>>)
      %dma_wait3A_99 = tpu.memref_slice %arg7[%mul3A_96] : memref<512xf32, #tpu.memory_space<hbm>> -> memref<16xf32, #tpu.memory_space<hbm>>
      %dma_wait3A_100 = tpu.memref_slice %arg7[%mul3A_96] : memref<512xf32, #tpu.memory_space<hbm>> -> memref<16xf32, #tpu.memory_space<hbm>>
      tpu.wait_dma2 semaphore(%run_scoped3A : memref<!tpu.dma_semaphore, #tpu.memory_space<semaphore_mem>>) src(%arg16 : memref<16xf32, #tpu.memory_space<vmem>>) dst(%dma_wait3A_100 : memref<16xf32, #tpu.memory_space<hbm>>)
      tpu.yield
    }) : () -> ()
    return
  }
}

</mosaic_0001>

<sc_bundles>
// kernel: gather_offload_async_start
scs
__scs_entry_jumppad:
0x0: {  	(pc) =	sbr.rel $0x88, $3  }
0x1: {  	(tag) =	ssettag $0x0;
	lr =	simm.s32 $0x1  }
0x2: {  	[smem:$0x3F9D] =	sst lr;
	_ =	strace $0xD0000000  }
0x3: {  	_ = 	snop  }
0x4: {  	_ = 	snop  }
0x5: {  	_ = 	snop  }
0x6: {  	_ = 	snop  }
0x7: {  	_ = 	snop  }
__scs_overlays_trampoline_lowered:
0x8: {  	[smem:$0x3FAC] =	sst s0  }
0x9: {  	[smem:$0x3FAD] =	sst s1  }
0xa: {  	[smem:$0x3FAE] =	sst s2  }
0xb: {  	[smem:$0x3FAF] =	sst s3  }
0xc: {  	[smem:$0x3FB0] =	sst s4  }
0xd: {  	[smem:$0x3FB1] =	sst s5  }
0xe: {  	[smem:$0x3FB2] =	sst s6  }
0xf: {  	[smem:$0x3FB3] =	sst s7  }
0x10: {  	[smem:$0x3FB4] =	sst s8  }
0x11: {  	[smem:$0x3FB5] =	sst s9;
	s0 =	simm.s32 @!p0 $0x0  }
0x12: {  	s1 =	sld [smem:$0x3F9B];
	s0 =	simm.s32 @p0 $0x1  }
0x13: {  	[smem:$0x3FB6] =	sst s0;
	s0 =	simm.s32 @!p1 $0x0  }
0x14: {  	s2 =	sld [smem:$0x3F9A];
	s0 =	simm.s32 @p1 $0x1  }
0x15: {  	[smem:$0x3FB7] =	sst s0;
	s0 =	simm.s32 @!p2 $0x0  }
0x16: {  	s3 =	sld [smem:$0x3FDB];
	s0 =	simm.s32 @p2 $0x1  }
0x17: {  	s4 =	simm.s32 $0x1BF5;
	[smem:$0x3FB9] =	sst s0  }
0x18: {  	s0 =	sld [smem:$0x3F9C];
	_ =	swait.ge [sflag:s4], $0x0  }
0x19: {  	s7 =	sld [smem:$0x3F9D]  }
0x1a: {  	s8 =	sadd.s32 $0xFFFFE003, lr  }
0x1b: {  	s9 =	sadd.s32 $0xFFFFFEF7, lr;
	s5 =	simm.s32 $0xFFFFFFFF;
	p2 =	slt.u32 s8, $0xFFFFF086  }
0x1c: {  	p1 =	slt.u32 s9, $0xF7A;
	s5 =	simm.s32 @!p2 $0x0  }
0x1d: {  	s5 =	simm.s32 @p1 $0x1;
	p0 =	seq.s32 s7, s2  }
0x1e: {  	s7 =	smul.u32 @!p0 $0xF7A, s2;
	p2 =	seq.s32 @!p0 s5, $0x0  }
0x1f: {  	s9 =	smul.u32 $0xF7A, s1;
	s8 =	simm.s32 @!p0 $0x1BF5;
	p2 =	por !p2, p0  }
0x20: {  	[sflag:s8] =	ssyncset.s32 @!p0 $0xFFFFF086;
	s6 =	sadd.s32 @!p0 s3, s7;
	s7 =	simm.s32 @!p0 $0x108  }
0x21: {  	s3 =	sadd.s32 s3, s9;
	s6 =	sadd.s32 @!p0 $0x88, s6;
	s7 =	simm.s32 @p2 $0x1082  }
0x22: {  	[simem:s7], [sflag:s8] =	dma.local @!p0 [hbm:s6], $0xF7A  }
0x23: {  	s9 =	sor.u32 $0xD0000000, s2;
	s6 =	simm.s32 $0x108;
	_ =	swait.ge @!p0 [sflag:s8], $0x0  }
0x24: {  	s3 =	sadd.s32 $0x88, s3;
	s6 =	simm.s32 @!p1 $0x1082;
	[sflag:s4] =	ssyncset.s32 $0xFFFFF086  }
0x25: {  	[simem:s6], [sflag:s4] =	dma.local [hbm:s3], $0xF7A  }
0x26: {  	[smem:$0x3F9D] =	sst s1;
	(tag) =	ssettag s2;
	_ =	strace s9  }
0x27: {  	s1 =	sld [smem:$0x3FAD]  }
0x28: {  	s2 =	sld [smem:$0x3FAE]  }
0x29: {  	s4 =	sld [smem:$0x3FB0]  }
0x2a: {  	p0 =	seq.s32 s5, $0x0;
	s5 =	sld [smem:$0x3FB1]  }
0x2b: {  	s6 =	sld [smem:$0x3FB2]  }
0x2c: {  	s7 =	sld [smem:$0x3FB3]  }
0x2d: {  	s3 =	simm.s32 $0x108;
	s8 =	sld [smem:$0x3FB4]  }
0x2e: {  	s3 =	simm.s32 @!p0 $0x1082;
	s9 =	sld [smem:$0x3FB5]  }
0x2f: {  	lr =	sadd.s32 s0, s3;
	s0 =	sld [smem:$0x3FAC]  }
0x30: {  	s3 =	sld [smem:$0x3FAF]  }
0x31: {  	[smem:$0x3FB8] =	sst s10  }
0x32: {  	s10 =	sld [smem:$0x3FB6];
	_ =	sdelay $0x3  }
0x33: {  	p0 =	seq.s32 s10, $0x1;
	s10 =	sld [smem:$0x3FB8];
	_ =	sdelay $0x3  }
0x34: {  	[smem:$0x3FB8] =	sst s10  }
0x35: {  	s10 =	sld [smem:$0x3FB7];
	_ =	sdelay $0x3  }
0x36: {  	p1 =	seq.s32 s10, $0x1;
	s10 =	sld [smem:$0x3FB8];
	_ =	sdelay $0x3  }
0x37: {  	[smem:$0x3FB8] =	sst s10  }
0x38: {  	s10 =	sld [smem:$0x3FB9]  }
0x39: {  	_ = 	snop;
	(pc) =	sbr.ind lr, $3  }
0x3a: {  	_ = 	snop  }
0x3b: {  	_ = 	snop  }
0x3c: {  	p2 =	seq.s32 s10, $0x1;
	s10 =	sld [smem:$0x3FB8]  }
0x3d: {  	_ =	shalt  }
0x3e: {  	_ =	shalt  }
0x3f: {  	_ =	shalt  }
0x40: {  	_ =	shalt  }
0x41: {  	_ =	shalt  }
0x42: {  	_ =	shalt  }
0x43: {  	_ =	shalt  }
0x44: {  	_ =	shalt  }
0x45: {  	_ =	shalt  }
0x46: {  	_ =	shalt  }
0x47: {  	_ =	shalt  }
0x48: {  	_ =	shalt  }
0x49: {  	_ =	shalt  }
0x4a: {  	_ =	shalt  }
0x4b: {  	_ =	shalt  }
0x4c: {  	_ =	shalt  }
0x4d: {  	_ =	shalt  }
0x4e: {  	_ =	shalt  }
0x4f: {  	_ =	shalt  }
0x50: {  	_ =	shalt  }
0x51: {  	_ =	shalt  }
0x52: {  	_ =	shalt  }
0x53: {  	_ =	shalt  }
0x54: {  	_ =	shalt  }
0x55: {  	_ =	shalt  }
0x56: {  	_ =	shalt  }
0x57: {  	_ =	shalt  }
0x58: {  	_ =	shalt  }
0x59: {  	_ =	shalt  }
0x5a: {  	_ =	shalt  }
0x5b: {  	_ =	shalt  }
0x5c: {  	_ =	shalt  }
0x5d: {  	_ =	shalt  }
0x5e: {  	_ =	shalt  }
0x5f: {  	_ =	shalt  }
0x60: {  	_ =	shalt  }
0x61: {  	_ =	shalt  }
0x62: {  	_ =	shalt  }
0x63: {  	_ =	shalt  }
0x64: {  	_ =	shalt  }
0x65: {  	_ =	shalt  }
0x66: {  	_ =	shalt  }
0x67: {  	_ =	shalt  }
0x68: {  	_ =	shalt  }
0x69: {  	_ =	shalt  }
0x6a: {  	_ =	shalt  }
0x6b: {  	_ =	shalt  }
0x6c: {  	_ =	shalt  }
0x6d: {  	_ =	shalt  }
0x6e: {  	_ =	shalt  }
0x6f: {  	_ =	shalt  }
0x70: {  	_ =	shalt  }
0x71: {  	_ =	shalt  }
0x72: {  	_ =	shalt  }
0x73: {  	_ =	shalt  }
0x74: {  	_ =	shalt  }
0x75: {  	_ =	shalt  }
0x76: {  	_ =	shalt  }
0x77: {  	_ =	shalt  }
0x78: {  	_ =	shalt  }
0x79: {  	_ =	shalt  }
0x7a: {  	_ =	shalt  }
0x7b: {  	_ =	shalt  }
0x7c: {  	_ =	shalt  }
0x7d: {  	_ =	shalt  }
0x7e: {  	_ =	shalt  }
0x7f: {  	_ =	shalt  }
0x80: {  	_ =	shalt  }
0x81: {  	_ =	shalt  }
0x82: {  	_ =	shalt  }
0x83: {  	_ =	shalt  }
0x84: {  	_ =	shalt  }
0x85: {  	_ =	shalt  }
0x86: {  	_ =	shalt  }
0x87: {  	_ =	shalt  }
.Lfunc_end0:
.L_simem_size_0:
called_computation_lowered:
.L_overlay_start_0:
0x88: {  	s2 =	sld [smem:$0x3FD9]  }
0x89: {  	s3 =	sld [smem:$0x3FFE];
	_ =	sdelay $0x1  }
0x8a: {  	s1 =	srdreg.scid  }
0x8b: {  	s0 =	sand.u32 $0x1, s1  }
0x8c: {  	s16 =	sshll.u32 s0, $0xA;
	s2 =	sadd.s32 s3, s2  }
0x8d: {  	s2 =	sadd.s32 s2, s16  }
0x8e: {  	[smem:$0x3FC4] =	sst s2  }
0x8f: {  	_ = 	snop  }
0x90: {  	(tm) =	ssettm $0x1  }
0x91: {  	s17 =	sld [smem:$0x3FFB];
	_ =	sdelay $0x3  }
0x92: {  	_ =	strace s17  }
0x93: {  	s2 =	sld [smem:$0x3FFC];
	_ =	sdelay $0x3  }
0x94: {  	_ =	strace s2  }
0x95: {  	s2 =	sld [smem:$0x3FFD];
	_ =	sdelay $0x3  }
0x96: {  	_ =	strace s2  }
0x97: {  	_ =	strace $0x8FFFFFFF  }
0x98: {  	s18 =	sld [smem:$0x3FDB];
	_ =	sdelay $0x1  }
0x99: {  	s19 =	simm.s32 $_scs_section_size  }
0x9a: {  	s4 =	simm.s32 $_size__tile_overlayer_lowered;
	s5 =	simm.s32 $_tile_overlayer_lowered  }
0x9b: {  	s22 =	simm.s32 $0x1BFF;
	s21 =	sshll.u32 s5, $0x1;
	s2 =	sadd.s32 s19, s18  }
0x9c: {  	s6 =	simm.s32 $0x0;
	s20 =	sshll.u32 s4, $0x1;
	s4 =	sadd.s32 s21, s2  }
0x9d: {  	[timem:s6], [sflag:s22] =	dma.local [hbm:s4], s20  }
0x9e: {  	_ =	swait.ge [sflag:s22], s20  }
0x9f: {  	s3 =	ssub.s32 $0x0, s20;
	[sflag:s22] =	ssyncset.done $0x0  }
0xa0: {  	[sflag:s22] =	ssyncadd.s32 s3;
	_ =	sdelay $0x1  }
0xa1: {  	s23 =	simm.s32 $0x1B8B  }
0xa2: {  	_ =	swait.ge [sflag:s23], $0x1  }
0xa3: {  	[sflag:s23] =	ssyncset.done $0x0  }
0xa4: {  	s25 =	simm.s32 $0x1B8E;
	s24 =	sld [smem:$0x3FFE];
	[sflag:s23] =	ssyncadd.s32 $0xFFFFFFFF  }
0xa5: {  	s26 =	simm.s32 $execute0_lowered;
	[smem:$0x3FD2] =	sst s25  }
0xa6: {  	s4 =	sshll.u32 s26, $0x1;
	_ =	strace $0x80000046;
	[dreg:$0x1] =	wrdreg $0xFFFFFFFF  }
0xa7: {  	s28 =	simm.s32 $_size_execute0_lowered;
	s2 =	sadd.s32 s2, s4;
	[dreg:$0x0] =	wrdreg $0x0  }
0xa8: {  	s4 =	sshll.u32 s28, $0x1;
	[dreg:$0x2] =	wrdreg s2  }
0xa9: {  	[dreg:$0x3] =	wrdreg s4  }
0xaa: {  	[dreg:$0x4] =	wrdreg $0xC0  }
0xab: {  	_ =	task [dreg:s6], $0x5FFFF  }
0xac: {  	[dreg:$0x1] =	wrdreg $0xFFFFFFFF  }
0xad: {  	[dreg:$0x0] =	wrdreg $0x60  }
0xae: {  	[dreg:$0x2] =	wrdreg s24  }
0xaf: {  	[dreg:$0x3] =	wrdreg $0x9  }
0xb0: {  	_ =	task.clear_ibuf [dreg:s6], $0x4FFFF;
	_ =	strace $0x90000046  }
0xb1: {  	s29 =	simm.s32 $0x9;
	_ =	strace $0x80000048  }
0xb2: {  	_ =	swait.ge [sflag:s29], $0x1  }
0xb3: {  	[sflag:s29] =	ssyncadd.s32 $0xFFFFFFFF  }
0xb4: {  	_ =	strace $0x90000048  }
0xb5: {  	_ =	sfence  }
0xb6: {  	s30 =	sld [smem:$0x0];
	_ =	sdelay $0x2  }
0xb7: {  	s31 =	sshll.u32 s1, $0xD;
	s1 =	sshrl.u32 s1, $0x2  }
0xb8: {  	s3 =	sand.u32 $0x4000, s31;
	s1 =	sadd.s32 s1, s30  }
0xb9: {  	s0 =	sor.u32 s3, s0;
	s1 =	sshll.u32 s1, $0x11  }
0xba: {  	s0 =	sor.u32 s1, s0  }
0xbb: {  	s0 =	sadd.s32 $0x8F2B, s0  }
0xbc: {  	[sflag:s0] =	ssyncadd.remote.s32 $0x1  }
0xbd: {  	_ =	sfence.sel $0xFFFF  }
0xbe: {  	[dreg:$0x0] =	wrdreg $0xFFFFFFFF;
	(pc) =	sbr.abs _section_cstart, $3  }
0xbf: {  	[dreg:$0x1] =	wrdreg $0xFFFFFFFF  }
0xc0: {  	_ =	task.clear_ibuf [dreg:s6], $0x2FFFF;
	_ =	strace $0x9FFFFFFF  }
0xc1: {  	(tm) =	ssettm $0x7FFFFFFF  }
tec
execute0_lowered:
.L_overlay_start_1:
0x0: {  	(tag) =	ssettag $0x1  }
0x1: {  	s7 =	rddreg [dreg:$0x0]  }
0x2: {  	s0 =	rddreg [dreg:$0x1];
	_ =	strace $0x80000047  }
0x3: {  	s1 =	srdreg.scid;
	s4 =	simm.s32 $0x1;
	s9 =	simm.s32 $0x3  }
0x4: {  	s11 =	simm.s32 $0x0;
	p0 =	por $0x0, $0x0;
	s5 =	sshll.u32 s1, $0x4  }
.Ltmp0:
0x5: {  	s1 =	stileid.u32;
	s5 =	sand.u32 $0x10, s5;
	(pc) =	sbr.rel .LBB2_1-.Ltmp0, $4  }
0x6: {  	s2 =	sadd.s32 $0xC00, s7;
	s3 =	sadd.s32 $0x400, s7;
	s6 =	sor.u32 s1, s5  }
0x7: {  	[sflag:s4] =	ssyncpa.u1 $0x0;
	s5 =	simm.s32 $0x2;
	s6 =	sshll.u32 s6, $0x9  }
0x8: {  	s7 =	sadd.s32 $0xF43000, s7;
	[sflag:s5] =	ssyncpa.u1 $0x0;
	s8 =	sadd.s32 $0x200, s6  }
0x9: {  	vm0 =	vmmov $0xff;
	vm1 =	vcmask $0x3F20;
	[sflag:s9] =	ssyncpa.u1 $0x0;
	s10 =	smov.u32 s6;
	s9 =	simm.s32 $0x0  }
.LBB2_7:
0xa: {  	p1 =	slt.u32 s9, $0x2;
	s11 =	sadd.s32 $0x100, s10  }
0xb: {  	s13 =	smov.u32 s6;
	s9 =	sadd.s32 $0x1, s9;
	p2 =	slt.s32 s11, s8  }
0xc: {  	s13 =	smov.u32 @p2 s11;
	p2 =	sne.s32 s9, $0x4  }
.Ltmp1:
0xd: {  	_ = 	snop;
	(pc) =	sbr.rel @!p2 .LBB2_8-.Ltmp1, $4  }
0xe: {  	s12 =	simm.s32 @!p1 $0x3  }
0xf: {  	_ =	swait.ge @!p1 [sflag:s12], $0x8000  }
0x10: {  	p0 =	por !p0, !p0;
	[sflag:s12] =	ssyncset.done @!p1 $0x0  }
0x11: {  	s11 =	smov.u32 s10;
	s10 =	smov.u32 s13;
	[sflag:s12] =	ssyncadd.s32 @!p1 $0xFFFF8000  }
.LBB2_1:
0x12: {  	p1 =	sgt.u32 s9, $0x1  }
0x13: {  	s12 =	sshll.u32 @!p1 s9, $0x8;
	s13 =	sshrl.u32 @!p1 s10, $0x3  }
0x14: {  	s14 =	sand.u32 @!p1 $0x7, s10;
	s12 =	sxor.u32 @!p1 $0x100, s12;
	s13 =	sadd.s32 @!p1 s3, s13  }
0x15: {  	[tilespmem:s12], [sflag:$0x2] =	stream.linear.gather @!p1 [hbm4b:s13+s14], $0x100, $0x38;
	[tilespmem:$0x10200] =	vst v63  }
0x16: {  	p1 =	seq.s32 s9, $0x0  }
0x17: {  	p2 =	seq.s32 @!p1 s9, $0x3  }
0x18: {  	p1 =	por p1, p2  }
.Ltmp2:
0x19: {  	_ = 	snop;
	(pc) =	sbr.rel @p1 .LBB2_7-.Ltmp2, $1  }
0x1a: {  	_ =	sdelay $0x3  }
0x1b: {  	s12 =	simm.s32 $0x1  }
0x1c: {  	_ =	swait.ge [sflag:s5], $0x100;
	s12 =	simm.s32 @!p0 $0x0  }
0x1d: {  	[sflag:s5] =	ssyncset.done $0x0;
	s14 =	sshll.u32 s12, $0x8  }
0x1e: {  	[sflag:s5] =	ssyncadd.s32 $0xFFFFFF00;
	s13 =	sadd.s32 $0x0, s14  }
0x1f: {  	v0 =	vld.msk [tilespmem:s13+$0x0 ss:$0x1], $0xffff;
	_ =	sdelay $0x4  }
0x20: {  	vm2 =	vgt.s32 v0, $0x0  }
0x21: {  	v0 =	vnsel vm2, $0x0, v0  }
0x22: {  	v0 =	vmin.u32 v0, $0xF423F  }
0x23: {  	v0 =	vshll.u32 v0, $0x4;
	_ =	sdelay $0x2  }
0x24: {  	s12 =	sshll.u32 s12, $0xF  }
0x25: {  	s12 =	sor.u32 $0x200, s12  }
0x26: {  	[tilespmem:s12], [sflag:$0x1] =	stream.indirect_vreg.gather [hbm:s2], $0x80, v0, vm0, $0x38;
	[tilespmem:$0x10200] =	vst v63  }
0x27: {  	s15 =	sadd.s32 $0x10, s14;
	s13 =	sadd.s32 $0x400, s12  }
0x28: {  	[tilespmem:s13], [sflag:$0x1] =	stream.indirect_vreg.gather [hbm:s2], $0x80, v0, vm1, $0x38;
	[tilespmem:$0x10200] =	vst v63  }
0x29: {  	s16 =	simm.s32 $0x80;
	v0 =	vld.msk [tilespmem:s15+$0x0 ss:$0x1], $0xffff;
	s15 =	smov.u32 s12  }
.LBB2_3:
0x2a: {  	p1 =	sne.s32 s16, $0x3C0;
	_ =	sdelay $0x4  }
0x2b: {  	vm2 =	vgt.s32 v0, $0x0  }
0x2c: {  	v0 =	vnsel vm2, $0x0, v0  }
0x2d: {  	v0 =	vmin.u32 v0, $0xF423F  }
0x2e: {  	v0 =	vshll.u32 v0, $0x4;
	_ =	sdelay $0x3  }
.Ltmp3:
0x2f: {  	s17 =	sshra.s32 s16, $0x2;
	s15 =	sadd.s32 $0x800, s15;
	(pc) =	sbr.rel @p1 .LBB2_3-.Ltmp3, $4  }
0x30: {  	[tilespmem:s15], [sflag:$0x1] =	stream.indirect_vreg.gather [hbm:s2], $0x80, v0, vm0, $0x38;
	[tilespmem:$0x10200] =	vst v63  }
0x31: {  	s17 =	sadd.s32 s17, s14;
	s18 =	sadd.s32 $0x400, s15  }
0x32: {  	[tilespmem:s18], [sflag:$0x1] =	stream.indirect_vreg.gather [hbm:s2], $0x80, v0, vm1, $0x38;
	[tilespmem:$0x10200] =	vst v63  }
0x33: {  	s16 =	sadd.s32 $0x40, s16;
	v0 =	vld.msk [tilespmem:s17+$0x0 ss:$0x1], $0xffff  }
0x34: {  	_ =	sdelay $0x3  }
0x35: {  	vm2 =	vgt.s32 v0, $0x0  }
0x36: {  	v0 =	vnsel vm2, $0x0, v0  }
0x37: {  	v0 =	vmin.u32 v0, $0xF423F  }
0x38: {  	v0 =	vshll.u32 v0, $0x4;
	_ =	sdelay $0x3  }
0x39: {  	s14 =	sadd.s32 $0x800, s15  }
0x3a: {  	[tilespmem:s14], [sflag:$0x1] =	stream.indirect_vreg.gather [hbm:s2], $0x80, v0, vm0, $0x38;
	[tilespmem:$0x10200] =	vst v63  }
0x3b: {  	s14 =	sadd.s32 $0x400, s14  }
0x3c: {  	[tilespmem:s14], [sflag:$0x1] =	stream.indirect_vreg.gather [hbm:s2], $0x80, v0, vm1, $0x38;
	[tilespmem:$0x10200] =	vst v63  }
0x3d: {  	s11 =	sshll.u32 s11, $0x4;
	_ =	swait.ge [sflag:s4], $0x8000  }
0x3e: {  	s11 =	sadd.s32 s11, s7;
	[sflag:s4] =	ssyncset.done $0x0  }
0x3f: {  	s15 =	sadd.s32 $0x0, s11;
	s14 =	simm.s32 $0x80;
	[sflag:s4] =	ssyncadd.s32 $0xFFFF8000  }
.LBB2_5:
0x40: {  	[hbm:s15] =	stream.linear.scatter [tilespmem:s12], [sflag:$0x3], $0x400, $0x38;
	[tilespmem:$0x10200] =	vst v63  }
0x41: {  	s15 =	smov.u32 s14;
	s12 =	smov.u32 s13;
	p1 =	sne.s32 s14, $0xF80  }
.Ltmp4:
0x42: {  	s14 =	sadd.s32 $0x80, s14;
	(pc) =	sbr.rel @p1 .LBB2_5-.Ltmp4, $2  }
0x43: {  	_ =	sdelay $0x2  }
0x44: {  	s13 =	sadd.s32 $0x400, s13;
	s15 =	sadd.s32 s15, s11  }
.Ltmp5:
0x45: {  	(pc) =	sbr.rel .LBB2_7-.Ltmp5, $2  }
0x46: {  	_ =	sdelay $0x2  }
0x47: {  	[hbm:s15] =	stream.linear.scatter [tilespmem:s12], [sflag:$0x3], $0x400, $0x38;
	[tilespmem:$0x10200] =	vst v63  }
.LBB2_8:
0x48: {  	_ =	sfence.sel $0x180000  }
0x49: {  	s2 =	simm.s32 $0x2;
	[bflag:$0x0] =	sbarrier.arrive $0xFFFF  }
0x4a: {  	s30 =	simm.s32 $0x3;
	[sflag:s2] =	ssyncpa.u1 $0x1  }
0x4b: {  	s31 =	simm.s32 $0x1;
	[sflag:s30] =	ssyncpa.u1 $0x1  }
0x4c: {  	[sflag:s31] =	ssyncpa.u1 $0x1  }
0x4d: {  	p0 =	sne.s32 s1, $0x0;
	_ =	strace $0x90000047  }
0x4e: {  	s0 =	sadd.s32 @!p0 $0x100000, s0;
	[bflag:$0x2] =	sbarrier.arrive $0xFFFF  }
0x4f: {  	[sflag:s0] =	ssyncadd.tile.s32 @!p0 $0x1;
	_ =	shalt  }
.Lfunc_end2:
_tile_overlayer_lowered:
.L_overlay_start_2:
0x50: {  	(tag) =	ssettag $0x2  }
0x51: {  	s0 =	rddreg [dreg:$0x0];
	s2 =	stileid.u32  }
0x52: {  	s1 =	rddreg [dreg:$0x1];
	p0 =	sne.s32 s2, $0x0  }
0x53: {  	s3 =	rddreg [dreg:$0x2];
	[bflag:$0x3] =	sbarrier.arrive $0xFFFF;
	s2 =	simm.s32 @!p0 $0x1C01  }
0x54: {  	[timem:s3], [sflag:s2] =	dma.local @!p0 [hbm:s0], s1  }
0x55: {  	s0 =	simm.s32 @!p0 $0x1  }
0x56: {  	_ =	swait.ge @!p0 [sflag:s0], s1  }
0x57: {  	s1 =	ssub.s32 @!p0 $0x0, s1;
	[sflag:s0] =	ssyncset.done @!p0 $0x0  }
0x58: {  	[sflag:s0] =	ssyncadd.s32 @!p0 s1  }
0x59: {  	[bflag:$0x3] =	sbarrier.arrive $0xFFFF  }
0x5a: {  	_ =	shalt  }

// kernel: kernel.3.cloned.1.call-start
scs
__scs_entry_jumppad:
0x0: {  	(pc) =	sbr.rel $0x88, $3  }
0x1: {  	(tag) =	ssettag $0x0;
	lr =	simm.s32 $0x1  }
0x2: {  	[smem:$0x3F9D] =	sst lr;
	_ =	strace $0xD0000000  }
0x3: {  	_ = 	snop  }
0x4: {  	_ = 	snop  }
0x5: {  	_ = 	snop  }
0x6: {  	_ = 	snop  }
0x7: {  	_ = 	snop  }
__scs_overlays_trampoline_lowered:
0x8: {  	[smem:$0x3FAC] =	sst s0  }
0x9: {  	[smem:$0x3FAD] =	sst s1  }
0xa: {  	[smem:$0x3FAE] =	sst s2  }
0xb: {  	[smem:$0x3FAF] =	sst s3  }
0xc: {  	[smem:$0x3FB0] =	sst s4  }
0xd: {  	[smem:$0x3FB1] =	sst s5  }
0xe: {  	[smem:$0x3FB2] =	sst s6  }
0xf: {  	[smem:$0x3FB3] =	sst s7  }
0x10: {  	[smem:$0x3FB4] =	sst s8  }
0x11: {  	[smem:$0x3FB5] =	sst s9;
	s0 =	simm.s32 @!p0 $0x0  }
0x12: {  	s1 =	sld [smem:$0x3F9B];
	s0 =	simm.s32 @p0 $0x1  }
0x13: {  	[smem:$0x3FB6] =	sst s0;
	s0 =	simm.s32 @!p1 $0x0  }
0x14: {  	s2 =	sld [smem:$0x3F9A];
	s0 =	simm.s32 @p1 $0x1  }
0x15: {  	[smem:$0x3FB7] =	sst s0;
	s0 =	simm.s32 @!p2 $0x0  }
0x16: {  	s3 =	sld [smem:$0x3FDB];
	s0 =	simm.s32 @p2 $0x1  }
0x17: {  	s4 =	simm.s32 $0x1BF5;
	[smem:$0x3FB9] =	sst s0  }
0x18: {  	s0 =	sld [smem:$0x3F9C];
	_ =	swait.ge [sflag:s4], $0x0  }
0x19: {  	s7 =	sld [smem:$0x3F9D]  }
0x1a: {  	s8 =	sadd.s32 $0xFFFFE003, lr  }
0x1b: {  	s9 =	sadd.s32 $0xFFFFFEF7, lr;
	s5 =	simm.s32 $0xFFFFFFFF;
	p2 =	slt.u32 s8, $0xFFFFF086  }
0x1c: {  	p1 =	slt.u32 s9, $0xF7A;
	s5 =	simm.s32 @!p2 $0x0  }
0x1d: {  	s5 =	simm.s32 @p1 $0x1;
	p0 =	seq.s32 s7, s2  }
0x1e: {  	s7 =	smul.u32 @!p0 $0xF7A, s2;
	p2 =	seq.s32 @!p0 s5, $0x0  }
0x1f: {  	s9 =	smul.u32 $0xF7A, s1;
	s8 =	simm.s32 @!p0 $0x1BF5;
	p2 =	por !p2, p0  }
0x20: {  	[sflag:s8] =	ssyncset.s32 @!p0 $0xFFFFF086;
	s6 =	sadd.s32 @!p0 s3, s7;
	s7 =	simm.s32 @!p0 $0x108  }
0x21: {  	s3 =	sadd.s32 s3, s9;
	s6 =	sadd.s32 @!p0 $0x88, s6;
	s7 =	simm.s32 @p2 $0x1082  }
0x22: {  	[simem:s7], [sflag:s8] =	dma.local @!p0 [hbm:s6], $0xF7A  }
0x23: {  	s9 =	sor.u32 $0xD0000000, s2;
	s6 =	simm.s32 $0x108;
	_ =	swait.ge @!p0 [sflag:s8], $0x0  }
0x24: {  	s3 =	sadd.s32 $0x88, s3;
	s6 =	simm.s32 @!p1 $0x1082;
	[sflag:s4] =	ssyncset.s32 $0xFFFFF086  }
0x25: {  	[simem:s6], [sflag:s4] =	dma.local [hbm:s3], $0xF7A  }
0x26: {  	[smem:$0x3F9D] =	sst s1;
	(tag) =	ssettag s2;
	_ =	strace s9  }
0x27: {  	s1 =	sld [smem:$0x3FAD]  }
0x28: {  	s2 =	sld [smem:$0x3FAE]  }
0x29: {  	s4 =	sld [smem:$0x3FB0]  }
0x2a: {  	p0 =	seq.s32 s5, $0x0;
	s5 =	sld [smem:$0x3FB1]  }
0x2b: {  	s6 =	sld [smem:$0x3FB2]  }
0x2c: {  	s7 =	sld [smem:$0x3FB3]  }
0x2d: {  	s3 =	simm.s32 $0x108;
	s8 =	sld [smem:$0x3FB4]  }
0x2e: {  	s3 =	simm.s32 @!p0 $0x1082;
	s9 =	sld [smem:$0x3FB5]  }
0x2f: {  	lr =	sadd.s32 s0, s3;
	s0 =	sld [smem:$0x3FAC]  }
0x30: {  	s3 =	sld [smem:$0x3FAF]  }
0x31: {  	[smem:$0x3FB8] =	sst s10  }
0x32: {  	s10 =	sld [smem:$0x3FB6];
	_ =	sdelay $0x3  }
0x33: {  	p0 =	seq.s32 s10, $0x1;
	s10 =	sld [smem:$0x3FB8];
	_ =	sdelay $0x3  }
0x34: {  	[smem:$0x3FB8] =	sst s10  }
0x35: {  	s10 =	sld [smem:$0x3FB7];
	_ =	sdelay $0x3  }
0x36: {  	p1 =	seq.s32 s10, $0x1;
	s10 =	sld [smem:$0x3FB8];
	_ =	sdelay $0x3  }
0x37: {  	[smem:$0x3FB8] =	sst s10  }
0x38: {  	s10 =	sld [smem:$0x3FB9]  }
0x39: {  	_ = 	snop;
	(pc) =	sbr.ind lr, $3  }
0x3a: {  	_ = 	snop  }
0x3b: {  	_ = 	snop  }
0x3c: {  	p2 =	seq.s32 s10, $0x1;
	s10 =	sld [smem:$0x3FB8]  }
0x3d: {  	_ =	shalt  }
0x3e: {  	_ =	shalt  }
0x3f: {  	_ =	shalt  }
0x40: {  	_ =	shalt  }
0x41: {  	_ =	shalt  }
0x42: {  	_ =	shalt  }
0x43: {  	_ =	shalt  }
0x44: {  	_ =	shalt  }
0x45: {  	_ =	shalt  }
0x46: {  	_ =	shalt  }
0x47: {  	_ =	shalt  }
0x48: {  	_ =	shalt  }
0x49: {  	_ =	shalt  }
0x4a: {  	_ =	shalt  }
0x4b: {  	_ =	shalt  }
0x4c: {  	_ =	shalt  }
0x4d: {  	_ =	shalt  }
0x4e: {  	_ =	shalt  }
0x4f: {  	_ =	shalt  }
0x50: {  	_ =	shalt  }
0x51: {  	_ =	shalt  }
0x52: {  	_ =	shalt  }
0x53: {  	_ =	shalt  }
0x54: {  	_ =	shalt  }
0x55: {  	_ =	shalt  }
0x56: {  	_ =	shalt  }
0x57: {  	_ =	shalt  }
0x58: {  	_ =	shalt  }
0x59: {  	_ =	shalt  }
0x5a: {  	_ =	shalt  }
0x5b: {  	_ =	shalt  }
0x5c: {  	_ =	shalt  }
0x5d: {  	_ =	shalt  }
0x5e: {  	_ =	shalt  }
0x5f: {  	_ =	shalt  }
0x60: {  	_ =	shalt  }
0x61: {  	_ =	shalt  }
0x62: {  	_ =	shalt  }
0x63: {  	_ =	shalt  }
0x64: {  	_ =	shalt  }
0x65: {  	_ =	shalt  }
0x66: {  	_ =	shalt  }
0x67: {  	_ =	shalt  }
0x68: {  	_ =	shalt  }
0x69: {  	_ =	shalt  }
0x6a: {  	_ =	shalt  }
0x6b: {  	_ =	shalt  }
0x6c: {  	_ =	shalt  }
0x6d: {  	_ =	shalt  }
0x6e: {  	_ =	shalt  }
0x6f: {  	_ =	shalt  }
0x70: {  	_ =	shalt  }
0x71: {  	_ =	shalt  }
0x72: {  	_ =	shalt  }
0x73: {  	_ =	shalt  }
0x74: {  	_ =	shalt  }
0x75: {  	_ =	shalt  }
0x76: {  	_ =	shalt  }
0x77: {  	_ =	shalt  }
0x78: {  	_ =	shalt  }
0x79: {  	_ =	shalt  }
0x7a: {  	_ =	shalt  }
0x7b: {  	_ =	shalt  }
0x7c: {  	_ =	shalt  }
0x7d: {  	_ =	shalt  }
0x7e: {  	_ =	shalt  }
0x7f: {  	_ =	shalt  }
0x80: {  	_ =	shalt  }
0x81: {  	_ =	shalt  }
0x82: {  	_ =	shalt  }
0x83: {  	_ =	shalt  }
0x84: {  	_ =	shalt  }
0x85: {  	_ =	shalt  }
0x86: {  	_ =	shalt  }
0x87: {  	_ =	shalt  }
.Lfunc_end0:
.L_simem_size_0:
called_computation.1_lowered:
.L_overlay_start_0:
0x88: {  	s2 =	sld [smem:$0x3FD9]  }
0x89: {  	s3 =	sld [smem:$0x3FFE];
	_ =	sdelay $0x1  }
0x8a: {  	s1 =	srdreg.scid  }
0x8b: {  	s0 =	sand.u32 $0x1, s1  }
0x8c: {  	s14 =	sshll.u32 s0, $0xA;
	s2 =	sadd.s32 s3, s2  }
0x8d: {  	s2 =	sadd.s32 s2, s14  }
0x8e: {  	[smem:$0x3FC4] =	sst s2  }
0x8f: {  	_ = 	snop  }
0x90: {  	s2 =	sld [smem:$0x3FD0];
	_ =	sdelay $0x2  }
0x91: {  	s15 =	simm.s32 $0xA;
	s4 =	simm.s32 $0x10  }
0x92: {  	[smem:s4], [sflag:s15] =	dma.local [hbm:s2], $0x1  }
0x93: {  	_ =	swait.eq [sflag:s15], $0x1  }
0x94: {  	[sflag:s15] =	ssyncset.done $0x0  }
0x95: {  	[sflag:s15] =	ssyncadd.s32 $0xFFFFFFFF  }
0x96: {  	s16 =	sld [smem:$0x10];
	(tm) =	ssettm $0x1  }
0x97: {  	s17 =	sld [smem:$0x3FFB];
	_ =	sdelay $0x3  }
0x98: {  	_ =	strace s17  }
0x99: {  	s3 =	sld [smem:$0x3FFC];
	_ =	sdelay $0x3  }
0x9a: {  	_ =	strace s3  }
0x9b: {  	s3 =	sld [smem:$0x3FFD];
	_ =	sdelay $0x3  }
0x9c: {  	_ =	strace s3  }
0x9d: {  	_ =	strace $0x8FFFFFFF  }
0x9e: {  	s18 =	sld [smem:$0x3FDB];
	_ =	sdelay $0x1  }
0x9f: {  	s19 =	simm.s32 $_scs_section_size  }
0xa0: {  	s5 =	simm.s32 $_size__tile_overlayer_lowered;
	s6 =	simm.s32 $_tile_overlayer_lowered  }
0xa1: {  	s22 =	simm.s32 $0x1BFF;
	s21 =	sshll.u32 s6, $0x1;
	s3 =	sadd.s32 s19, s18  }
0xa2: {  	s7 =	simm.s32 $0x0;
	s20 =	sshll.u32 s5, $0x1;
	s5 =	sadd.s32 s21, s3  }
0xa3: {  	[timem:s7], [sflag:s22] =	dma.local [hbm:s5], s20  }
0xa4: {  	_ =	swait.ge [sflag:s22], s20  }
0xa5: {  	s4 =	ssub.s32 $0x0, s20;
	[sflag:s22] =	ssyncset.done $0x0  }
0xa6: {  	[sflag:s22] =	ssyncadd.s32 s4;
	_ =	sdelay $0x1  }
0xa7: {  	s23 =	simm.s32 $0x1B8B  }
0xa8: {  	_ =	swait.ge [sflag:s23], $0x1  }
0xa9: {  	[sflag:s23] =	ssyncset.done $0x0  }
0xaa: {  	s25 =	simm.s32 $0x1B8E;
	s24 =	sld [smem:$0x3FFE];
	[sflag:s23] =	ssyncadd.s32 $0xFFFFFFFF  }
0xab: {  	s26 =	simm.s32 $execute0_lowered;
	[smem:$0x3FD2] =	sst s25  }
0xac: {  	s5 =	sshll.u32 s26, $0x1;
	_ =	strace $0x80000049;
	[dreg:$0x1] =	wrdreg $0xFFFFFFFF  }
0xad: {  	s28 =	simm.s32 $_size_execute0_lowered;
	s3 =	sadd.s32 s3, s5;
	[dreg:$0x0] =	wrdreg $0x0  }
0xae: {  	s5 =	sshll.u32 s28, $0x1;
	[dreg:$0x2] =	wrdreg s3  }
0xaf: {  	[dreg:$0x3] =	wrdreg s5  }
0xb0: {  	[dreg:$0x4] =	wrdreg $0xC0  }
0xb1: {  	_ =	task [dreg:s7], $0x5FFFF  }
0xb2: {  	[dreg:$0x1] =	wrdreg $0xFFFFFFFF  }
0xb3: {  	[dreg:$0x0] =	wrdreg $0x60  }
0xb4: {  	[dreg:$0x2] =	wrdreg s16  }
0xb5: {  	[dreg:$0x3] =	wrdreg s24  }
0xb6: {  	[dreg:$0x4] =	wrdreg $0x9  }
0xb7: {  	_ =	task.clear_ibuf [dreg:s7], $0x5FFFF;
	_ =	strace $0x90000049  }
0xb8: {  	s29 =	simm.s32 $0x9;
	_ =	strace $0x8000004B  }
0xb9: {  	_ =	swait.ge [sflag:s29], $0x1  }
0xba: {  	[sflag:s29] =	ssyncadd.s32 $0xFFFFFFFF  }
0xbb: {  	_ =	strace $0x9000004B  }
0xbc: {  	_ =	sfence  }
0xbd: {  	s30 =	sld [smem:$0x0];
	_ =	sdelay $0x2  }
0xbe: {  	s31 =	sshll.u32 s1, $0xD;
	s1 =	sshrl.u32 s1, $0x2  }
0xbf: {  	s3 =	sand.u32 $0x4000, s31;
	s1 =	sadd.s32 s1, s30  }
0xc0: {  	s0 =	sor.u32 s3, s0;
	s1 =	sshll.u32 s1, $0x11  }
0xc1: {  	s0 =	sor.u32 s1, s0  }
0xc2: {  	s0 =	sadd.s32 $0x8F2B, s0  }
0xc3: {  	[sflag:s0] =	ssyncadd.remote.s32 $0x1  }
0xc4: {  	_ =	sfence.sel $0xFFFF  }
0xc5: {  	[dreg:$0x0] =	wrdreg $0xFFFFFFFF;
	(pc) =	sbr.abs _section_cstart, $3  }
0xc6: {  	[dreg:$0x1] =	wrdreg $0xFFFFFFFF  }
0xc7: {  	_ =	task.clear_ibuf [dreg:s7], $0x2FFFF;
	_ =	strace $0x9FFFFFFF  }
0xc8: {  	(tm) =	ssettm $0x7FFFFFFF  }
0xc9: {  	_ =	shalt  }
tec
execute0_lowered:
.L_overlay_start_1:
0x0: {  	(tag) =	ssettag $0x1  }
0x1: {  	s0 =	rddreg [dreg:$0x0]  }
0x2: {  	s6 =	rddreg [dreg:$0x1]  }
0x3: {  	s3 =	srdreg.scid;
	s1 =	stileid.u32  }
0x4: {  	s2 =	simm.s32 $0x0;
	s12 =	simm.s32 $0x6400;
	s13 =	simm.s32 $0x80  }
0x5: {  	s14 =	simm.s32 $0xE400;
	s15 =	simm.s32 $0xE500;
	s16 =	simm.s32 $0xE480  }
0x6: {  	s17 =	simm.s32 $0x10500;
	s18 =	simm.s32 $0x1;
	s19 =	simm.s32 $0x12500  }
0x7: {  	s20 =	simm.s32 $0x2;
	s21 =	simm.s32 $0x4;
	s22 =	simm.s32 $0x12580  }
0x8: {  	s23 =	simm.s32 $0x3;
	s24 =	simm.s32 $0x12600;
	s25 =	simm.s32 $0x0  }
0x9: {  	s7 =	sand.u32 $0x1, s3;
	s28 =	sshll.u32 s1, $0x1;
	[smem:$0x7FF] =	sst s2  }
0xa: {  	s5 =	sadd.s32 $0x20600, s6;
	s8 =	sor.u32 s7, s28;
	_ =	strace $0x8000004A  }
0xb: {  	s7 =	ssub.s32 $0x2, s7;
	s3 =	sshll.u32 s8, $0xC;
	s4 =	smul.u32 $0x6400, s8  }
0xc: {  	s8 =	sshll.u32 s8, $0x1;
	s29 =	sshrl.u32 s7, $0x1;
	s9 =	sadd.s32 s3, s6  }
0xd: {  	v0 =	vlaneseq.u32;
	s3 =	sadd.s32 $0x1EC5400, s6;
	s10 =	sadd.s32 s8, s6;
	s11 =	ssub.s32 s7, s29  }
0xe: {  	v1 =	vor.u32 $0x10, v0;
	v2 =	vor.u32 $0x20, v0;
	s30 =	sshrl.u32 s4, $0x3;
	s31 =	sadd.s32 $0x200, s9;
	s8 =	sadd.s32 $0x20200, s10  }
0xf: {  	v3 =	vor.u32 $0x30, v0;
	v4 =	vor.u32 $0x40, v0;
	v5 =	vor.u32 $0x50, v0;
	s9 =	sadd.s32 $0x20400, s10;
	s0 =	sadd.s32 s0, s30;
	[dreg:$0x4] =	wrdreg s31  }
0x10: {  	v6 =	vor.u32 $0x60, v0;
	v7 =	vor.u32 $0x70, v0;
	v8 =	vor.u32 $0xFFFFFFF8, v0;
	s10 =	smax.u32 s11, $0x1;
	s11 =	simm.s32 $0x5;
	[dreg:$0x3] =	wrdreg s0  }
.LBB2_1:
0x11: {  	s0 =	rddreg [dreg:$0x3]  }
0x12: {  	[tilespmem:s2], [sflag:$0x5] =	stream.linear.gather [hbm4b:s0+s2], $0x6400, $0x38;
	[tilespmem:$0x12610] =	vst v63  }
0x13: {  	_ =	swait.ge [sflag:s11], $0x6400  }
0x14: {  	[sflag:s11] =	ssyncset.done $0x0  }
0x15: {  	s31 =	rddreg [dreg:$0x4];
	[sflag:s11] =	ssyncadd.s32 $0xFFFF9C00  }
0x16: {  	[tilespmem:s12], [sflag:$0x5] =	stream.linear.gather [hbm4b:s31+s2], $0x8000, $0x38;
	[tilespmem:$0x12610] =	vst v63  }
0x17: {  	_ =	swait.ge [sflag:s11], $0x8000  }
0x18: {  	[sflag:s11] =	ssyncset.done $0x0  }
0x19: {  	[sflag:s11] =	ssyncadd.s32 $0xFFFF8000  }
0x1a: {  	v9 =	vld.idx.msk [tilespmem:v0+s2+$0x0], $0xffff;
	_ =	sdelay $0x4  }
0x1b: {  	[tilespmem:$0xE400] =	vst v9  }
0x1c: {  	v9 =	vld.idx.msk [tilespmem:v1+s2+$0x0], $0xffff;
	_ =	sdelay $0x4  }
0x1d: {  	[tilespmem:$0xE410] =	vst v9  }
0x1e: {  	v9 =	vld.idx.msk [tilespmem:v2+s2+$0x0], $0xffff;
	_ =	sdelay $0x4  }
0x1f: {  	[tilespmem:$0xE420] =	vst v9  }
0x20: {  	v9 =	vld.idx.msk [tilespmem:v3+s2+$0x0], $0xffff;
	_ =	sdelay $0x4  }
0x21: {  	[tilespmem:$0xE430] =	vst v9  }
0x22: {  	v9 =	vld.idx.msk [tilespmem:v4+s2+$0x0], $0xffff;
	_ =	sdelay $0x4  }
0x23: {  	[tilespmem:$0xE440] =	vst v9  }
0x24: {  	v9 =	vld.idx.msk [tilespmem:v5+s2+$0x0], $0xffff;
	_ =	sdelay $0x4  }
0x25: {  	[tilespmem:$0xE450] =	vst v9  }
0x26: {  	v9 =	vld.idx.msk [tilespmem:v6+s2+$0x0], $0xffff;
	_ =	sdelay $0x4  }
0x27: {  	[tilespmem:$0xE460] =	vst v9  }
0x28: {  	v9 =	vld.idx.msk [tilespmem:v7+s2+$0x0], $0xffff;
	_ =	sdelay $0x4  }
0x29: {  	s26 =	simm.s32 $0x0;
	[tilespmem:$0xE470] =	vst v9  }
0x2a: {  	v10 =	vimm.f32 $0.0e+00;
	v11 =	vimm.f32 $0.0e+00;
	[tilespmem:s15], [sflag:$0x1] =	stream.indirect.gather [hbm4b:s3+s13], $0x40, s14, s13, $0xb8;
	[tilespmem:$0x12610] =	vst v63  }
.LBB2_2:
0x2b: {  	s29 =	sshll.u32 s26, $0x8  }
0x2c: {  	s28 =	sor.u32 $0x80, s29  }
0x2d: {  	v9 =	vor.u32 s28, v0;
	_ =	sdelay $0x4  }
0x2e: {  	s0 =	sor.u32 $0x90, s29;
	v9 =	vld.idx.msk [tilespmem:v9+s2+$0x0], $0xffff  }
0x2f: {  	v12 =	vor.u32 s0, v0;
	_ =	sdelay $0x3  }
0x30: {  	[tilespmem:$0xE480] =	vst v9  }
0x31: {  	s1 =	sor.u32 $0xA0, s29;
	v9 =	vld.idx.msk [tilespmem:v12+s2+$0x0], $0xffff  }
0x32: {  	v12 =	vor.u32 s1, v0;
	_ =	sdelay $0x3  }
0x33: {  	[tilespmem:$0xE490] =	vst v9  }
0x34: {  	s6 =	sor.u32 $0xB0, s29;
	v9 =	vld.idx.msk [tilespmem:v12+s2+$0x0], $0xffff  }
0x35: {  	v12 =	vor.u32 s6, v0;
	_ =	sdelay $0x3  }
0x36: {  	[tilespmem:$0xE4A0] =	vst v9  }
0x37: {  	s7 =	sor.u32 $0xC0, s29;
	v9 =	vld.idx.msk [tilespmem:v12+s2+$0x0], $0xffff  }
0x38: {  	v12 =	vor.u32 s7, v0;
	_ =	sdelay $0x3  }
0x39: {  	[tilespmem:$0xE4B0] =	vst v9  }
0x3a: {  	s1 =	sor.u32 $0xD0, s29;
	v9 =	vld.idx.msk [tilespmem:v12+s2+$0x0], $0xffff  }
0x3b: {  	v12 =	vor.u32 s1, v0;
	_ =	sdelay $0x3  }
0x3c: {  	[tilespmem:$0xE4C0] =	vst v9  }
0x3d: {  	s6 =	sor.u32 $0xE0, s29;
	v9 =	vld.idx.msk [tilespmem:v12+s2+$0x0], $0xffff  }
0x3e: {  	v12 =	vor.u32 s6, v0;
	_ =	sdelay $0x3  }
0x3f: {  	[tilespmem:$0xE4D0] =	vst v9  }
0x40: {  	s7 =	sor.u32 $0xF0, s29;
	v9 =	vld.idx.msk [tilespmem:v12+s2+$0x0], $0xffff  }
0x41: {  	v12 =	vor.u32 s7, v0;
	_ =	sdelay $0x3  }
0x42: {  	[tilespmem:$0xE4E0] =	vst v9  }
0x43: {  	v9 =	vld.idx.msk [tilespmem:v12+s2+$0x0], $0xffff;
	_ =	sdelay $0x4  }
0x44: {  	[tilespmem:$0xE4F0] =	vst v9  }
0x45: {  	[tilespmem:s17], [sflag:$0x2] =	stream.indirect.gather [hbm4b:s3+s13], $0x40, s16, s13, $0xb8;
	[tilespmem:$0x12610] =	vst v63  }
0x46: {  	_ =	swait.ge [sflag:s18], $0x2000  }
0x47: {  	p0 =	seq.s32 s26, $0x0;
	[sflag:s18] =	ssyncset.done $0x0  }
0x48: {  	s0 =	simm.s32 @!p0 $0x3;
	[sflag:s18] =	ssyncadd.s32 $0xFFFFE000  }
0x49: {  	_ =	swait.ge @!p0 [sflag:s0], $0x80  }
0x4a: {  	[sflag:s0] =	ssyncset.done @!p0 $0x0  }
0x4b: {  	s30 =	simm.s32 $0x0;
	s31 =	simm.s32 $0x0;
	v12 =	vmov s29;
	v9 =	vmov s28;
	[sflag:s0] =	ssyncadd.s32 @!p0 $0xFFFFFF80  }
.LBB2_3:
0x4c: {  	s0 =	sshll.u32 s31, $0x4  }
0x4d: {  	v13 =	vor.u32 s0, v0  }
0x4e: {  	v14 =	vor.u32 v12, v13  }
0x4f: {  	v14 =	vmulhi.u32 $0x51EB851F, v14;
	_ =	sdelay $0x1  }
0x50: {  	v15 =	vshll.u32 v13, $0x6;
	v14 =	vshrl.u32 v14, $0x4  }
0x51: {  	v17 =	vshll.u32 v14, $0x6;
	v14 =	vor.u32 s30, v15  }
0x52: {  	s6 =	simm.s32 $0x1;
	v16 =	vor.u32 s30, v17  }
0x53: {  	v18 =	vor.u32 s6, v15  }
0x54: {  	s1 =	simm.s32 $0x2;
	v19 =	vor.u32 s6, v17  }
0x55: {  	v20 =	vor.u32 s1, v15  }
0x56: {  	s7 =	simm.s32 $0x3;
	v22 =	vor.u32 s1, v17;
	v33 =	vld.idx.msk [tilespmem:v14+s15+$0x0], $0xffff  }
0x57: {  	v27 =	vor.u32 s7, v15;
	v32 =	vld.idx.msk [tilespmem:v16+s12+$0x0], $0xffff  }
0x58: {  	v29 =	vor.u32 s7, v17;
	v21 =	vld.idx.msk [tilespmem:v18+s15+$0x0], $0xffff  }
0x59: {  	s6 =	simm.s32 $0x4;
	v25 =	vld.idx.msk [tilespmem:v19+s12+$0x0], $0xffff  }
0x5a: {  	v30 =	vimm.f32 $0.0e+00;
	s0 =	simm.s32 $0x6;
	s7 =	simm.s32 $0x7;
	v24 =	vor.u32 s6, v15;
	v23 =	vor.u32 s6, v17;
	s6 =	simm.s32 $0x5;
	v19 =	vld.idx.msk [tilespmem:v20+s15+$0x0], $0xffff  }
0x5b: {  	v18 =	vor.u32 s0, v15;
	v28 =	vor.u32 s6, v15;
	v14 =	vor.u32 s7, v17;
	v26 =	vld.idx.msk [tilespmem:v22+s12+$0x0], $0xffff  }
0x5c: {  	v16 =	vor.u32 s7, v15;
	v22 =	vld.idx.msk [tilespmem:v27+s15+$0x0], $0xffff;
	v20 =	vor.u32 s0, v17;
	v31 =	vmul.f32 v32, v33  }
0x5d: {  	v27 =	vld.idx.msk [tilespmem:v29+s12+$0x0], $0xffff;
	v29 =	vor.u32 s6, v17;
	s0 =	simm.s32 $0x8;
	v32 =	vmul.f32 v32, v32;
	v33 =	vmul.f32 v33, v33  }
.LBB2_4:
0x5e: {  	p1 =	sne.s32 s0, $0x3C;
	v30 =	vadd.f32 v31, v30;
	v31 =	vmul.f32 v25, v21;
	v25 =	vmul.f32 v25, v25  }
0x5f: {  	v21 =	vmul.f32 v21, v21;
	v11 =	vadd.f32 v32, v11;
	v10 =	vadd.f32 v33, v10  }
0x60: {  	v33 =	vld.idx.msk [tilespmem:v24+s15+$0x0], $0xffff;
	v24 =	vadd.f32 v31, v30;
	v30 =	vmul.f32 v26, v19;
	v26 =	vmul.f32 v26, v26  }
0x61: {  	v19 =	vmul.f32 v19, v19;
	v32 =	vld.idx.msk [tilespmem:v23+s12+$0x0], $0xffff;
	v11 =	vadd.f32 v25, v11;
	v10 =	vadd.f32 v21, v10  }
0x62: {  	v21 =	vld.idx.msk [tilespmem:v28+s15+$0x0], $0xffff;
	v23 =	vadd.f32 v30, v24;
	v28 =	vmul.f32 v27, v22;
	v27 =	vmul.f32 v27, v27  }
0x63: {  	v22 =	vmul.f32 v22, v22;
	v25 =	vld.idx.msk [tilespmem:v29+s12+$0x0], $0xffff;
	v11 =	vadd.f32 v26, v11;
	v10 =	vadd.f32 v19, v10  }
.Ltmp0:
0x64: {  	v24 =	vor.u32 s0, v15;
	v19 =	vld.idx.msk [tilespmem:v18+s15+$0x0], $0xffff;
	v30 =	vadd.f32 v28, v23;
	(pc) =	sbr.rel @p1 .LBB2_4-.Ltmp0, $4  }
0x65: {  	s1 =	sadd.s32 $0x2, s0;
	s6 =	sadd.s32 $0x3, s0;
	v23 =	vor.u32 s0, v17;
	v26 =	vld.idx.msk [tilespmem:v20+s12+$0x0], $0xffff;
	v11 =	vadd.f32 v27, v11;
	v10 =	vadd.f32 v22, v10  }
0x66: {  	s7 =	sadd.s32 $0x1, s0;
	v29 =	vor.u32 s6, v17;
	v18 =	vor.u32 s1, v15;
	v22 =	vld.idx.msk [tilespmem:v16+s15+$0x0], $0xffff;
	v16 =	vor.u32 s6, v15  }
0x67: {  	v28 =	vor.u32 s7, v15;
	v20 =	vor.u32 s1, v17;
	v31 =	vmul.f32 v32, v33;
	v27 =	vld.idx.msk [tilespmem:v14+s12+$0x0], $0xffff;
	v14 =	vmovc v29  }
0x68: {  	s0 =	sadd.s32 $0x4, s0;
	v32 =	vmul.f32 v32, v32;
	v33 =	vmul.f32 v33, v33;
	v29 =	vor.u32 s7, v17  }
0x69: {  	_ =	sdelay $0x3  }
0x6a: {  	v15 =	vadd.f32 v31, v30;
	v17 =	vmul.f32 v25, v21;
	v46 =	vmul.f32 v25, v25;
	v24 =	vld.idx.msk [tilespmem:v24+s15+$0x0], $0xffff  }
0x6b: {  	v47 =	vmul.f32 v21, v21;
	v23 =	vld.idx.msk [tilespmem:v23+s12+$0x0], $0xffff;
	v51 =	vmul.f32 v19, v19;
	v11 =	vadd.f32 v32, v11  }
0x6c: {  	v50 =	vld.idx.msk [tilespmem:v28+s15+$0x0], $0xffff;
	v10 =	vadd.f32 v33, v10;
	v48 =	vmul.f32 v26, v19;
	v15 =	vadd.f32 v17, v15  }
0x6d: {  	v52 =	vld.idx.msk [tilespmem:v29+s12+$0x0], $0xffff;
	v13 =	vand.u32 v8, v13;
	v49 =	vmul.f32 v26, v26;
	v11 =	vadd.f32 v46, v11  }
0x6e: {  	v18 =	vld.idx.msk [tilespmem:v18+s15+$0x0], $0xffff;
	v10 =	vadd.f32 v47, v10;
	v53 =	vmul.f32 v27, v22;
	v15 =	vadd.f32 v48, v15  }
0x6f: {  	v20 =	vld.idx.msk [tilespmem:v20+s12+$0x0], $0xffff;
	v55 =	vmul.f32 v22, v22;
	v54 =	vmul.f32 v27, v27;
	v11 =	vadd.f32 v49, v11  }
0x70: {  	v16 =	vld.idx.msk [tilespmem:v16+s15+$0x0], $0xffff;
	v10 =	vadd.f32 v51, v10;
	v56 =	vmul.f32 v23, v24;
	v15 =	vadd.f32 v53, v15  }
0x71: {  	v14 =	vld.idx.msk [tilespmem:v14+s12+$0x0], $0xffff;
	v57 =	vmul.f32 v23, v23;
	v58 =	vmul.f32 v24, v24;
	v11 =	vadd.f32 v54, v11  }
0x72: {  	v59 =	vmul.f32 v52, v50;
	v10 =	vadd.f32 v55, v10;
	v15 =	vadd.f32 v56, v15  }
0x73: {  	v17 =	vmul.f32 v52, v52;
	v60 =	vmul.f32 v50, v50;
	v11 =	vadd.f32 v57, v11  }
0x74: {  	s31 =	sadd.s32 $0x1, s31;
	v61 =	vmul.f32 v20, v18;
	v10 =	vadd.f32 v58, v10;
	v15 =	vadd.f32 v59, v15  }
0x75: {  	p1 =	sne.s32 s31, $0x8;
	v20 =	vmul.f32 v20, v20;
	v62 =	vmul.f32 v18, v18;
	v11 =	vadd.f32 v17, v11  }
.Ltmp1:
0x76: {  	v63 =	vmul.f32 v14, v16;
	v10 =	vadd.f32 v60, v10;
	v15 =	vadd.f32 v61, v15;
	(pc) =	sbr.rel @p1 .LBB2_3-.Ltmp1, $3  }
0x77: {  	v14 =	vmul.f32 v14, v14;
	v11 =	vadd.f32 v20, v11  }
0x78: {  	v16 =	vmul.f32 v16, v16;
	v10 =	vadd.f32 v62, v10;
	v15 =	vadd.f32 v63, v15;
	_ =	sdelay $0x1  }
0x79: {  	v11 =	vadd.f32 v14, v11;
	v10 =	vadd.f32 v16, v10;
	[tilespmem:v13+s19+$0x0] =	vst.idx.msk $0xffff, v15  }
0x7a: {  	p1 =	sne.s32 s26, $0x63  }
.Ltmp2:
0x7b: {  	_ = 	snop;
	(pc) =	sbr.rel @p1 .LBB2_8-.Ltmp2, $4  }
0x7c: {  	s0 =	sadd.s32 s4, s29  }
0x7d: {  	s0 =	sshrl.u32 s0, $0x3  }
0x7e: {  	s0 =	sadd.s32 s5, s0  }
0x7f: {  	[hbm4b:s0+s2] =	stream.linear.scatter [tilespmem:s19], [sflag:$0x3], $0x80, $0x38;
	[tilespmem:$0x12610] =	vst v63  }
.Ltmp3:
0x80: {  	(pc) =	sbr.rel .LBB2_9-.Ltmp3, $4  }
0x81: {  	_ = 	snop  }
0x82: {  	_ =	swait.ge [sflag:s20], $0x2000  }
0x83: {  	[sflag:s20] =	ssyncset.done $0x0  }
0x84: {  	[sflag:s20] =	ssyncadd.s32 $0xFFFFE000  }
.LBB2_8:
0x85: {  	s0 =	sadd.s32 $0x100, s29  }
0x86: {  	v12 =	vor.u32 s0, v0;
	_ =	sdelay $0x4  }
0x87: {  	s30 =	sadd.s32 $0x110, s29;
	v12 =	vld.idx.msk [tilespmem:v12+s2+$0x0], $0xffff  }
0x88: {  	v13 =	vor.u32 s30, v0;
	_ =	sdelay $0x3  }
0x89: {  	[tilespmem:$0xE400] =	vst v12  }
0x8a: {  	s31 =	sadd.s32 $0x120, s29;
	v12 =	vld.idx.msk [tilespmem:v13+s2+$0x0], $0xffff  }
0x8b: {  	v58 =	vor.u32 s31, v0;
	_ =	sdelay $0x3  }
0x8c: {  	[tilespmem:$0xE410] =	vst v12  }
0x8d: {  	s1 =	sadd.s32 $0x130, s29;
	v12 =	vld.idx.msk [tilespmem:v58+s2+$0x0], $0xffff  }
0x8e: {  	v59 =	vor.u32 s1, v0;
	_ =	sdelay $0x3  }
0x8f: {  	[tilespmem:$0xE420] =	vst v12  }
0x90: {  	s6 =	sadd.s32 $0x140, s29;
	v12 =	vld.idx.msk [tilespmem:v59+s2+$0x0], $0xffff  }
0x91: {  	v60 =	vor.u32 s6, v0;
	_ =	sdelay $0x3  }
0x92: {  	[tilespmem:$0xE430] =	vst v12  }
0x93: {  	s7 =	sadd.s32 $0x150, s29;
	v12 =	vld.idx.msk [tilespmem:v60+s2+$0x0], $0xffff  }
0x94: {  	v61 =	vor.u32 s7, v0;
	_ =	sdelay $0x3  }
0x95: {  	[tilespmem:$0xE440] =	vst v12  }
0x96: {  	s30 =	sadd.s32 $0x160, s29;
	v12 =	vld.idx.msk [tilespmem:v61+s2+$0x0], $0xffff  }
0x97: {  	v62 =	vor.u32 s30, v0;
	_ =	sdelay $0x3  }
0x98: {  	[tilespmem:$0xE450] =	vst v12  }
0x99: {  	s31 =	sadd.s32 $0x170, s29;
	v12 =	vld.idx.msk [tilespmem:v62+s2+$0x0], $0xffff  }
0x9a: {  	v63 =	vor.u32 s31, v0;
	_ =	sdelay $0x3  }
0x9b: {  	[tilespmem:$0xE460] =	vst v12  }
0x9c: {  	v12 =	vld.idx.msk [tilespmem:v63+s2+$0x0], $0xffff;
	_ =	sdelay $0x4  }
.Ltmp4:
0x9d: {  	[tilespmem:$0xE470] =	vst v12;
	(pc) =	sbr.rel @p0 .LBB2_10-.Ltmp4, $4  }
0x9e: {  	[tilespmem:s15], [sflag:$0x1] =	stream.indirect.gather [hbm4b:s3+s13], $0x40, s14, s13, $0xb8;
	[tilespmem:$0x12610] =	vst v63  }
0x9f: {  	_ =	swait.ge [sflag:s20], $0x2000  }
0xa0: {  	[sflag:s20] =	ssyncset.done $0x0  }
0xa1: {  	[sflag:s20] =	ssyncadd.s32 $0xFFFFE000  }
.LBB2_9:
0xa2: {  	_ =	swait.ge [sflag:s21], $0x80  }
0xa3: {  	[sflag:s21] =	ssyncset.done $0x0  }
0xa4: {  	[sflag:s21] =	ssyncadd.s32 $0xFFFFFF80  }
.LBB2_10:
0xa5: {  	s29 =	simm.s32 $0x0;
	s30 =	simm.s32 $0x0  }
.LBB2_11:
0xa6: {  	s0 =	sshll.u32 s30, $0x4  }
0xa7: {  	v12 =	vor.u32 s0, v0  }
0xa8: {  	v13 =	vor.u32 v9, v12  }
0xa9: {  	v13 =	vmulhi.u32 $0x51EB851F, v13;
	_ =	sdelay $0x1  }
0xaa: {  	v14 =	vshll.u32 v12, $0x6;
	v13 =	vshrl.u32 v13, $0x4  }
0xab: {  	v16 =	vshll.u32 v13, $0x6;
	v13 =	vor.u32 s29, v14  }
0xac: {  	s7 =	simm.s32 $0x1;
	v15 =	vor.u32 s29, v16  }
0xad: {  	v17 =	vor.u32 s7, v14  }
0xae: {  	s1 =	simm.s32 $0x2;
	v18 =	vor.u32 s7, v16  }
0xaf: {  	v19 =	vor.u32 s1, v14  }
0xb0: {  	s31 =	simm.s32 $0x3;
	v21 =	vor.u32 s1, v16;
	v32 =	vld.idx.msk [tilespmem:v13+s17+$0x0], $0xffff  }
0xb1: {  	v26 =	vor.u32 s31, v14;
	v31 =	vld.idx.msk [tilespmem:v15+s12+$0x0], $0xffff  }
0xb2: {  	v28 =	vor.u32 s31, v16;
	v20 =	vld.idx.msk [tilespmem:v17+s17+$0x0], $0xffff  }
0xb3: {  	s6 =	simm.s32 $0x4;
	v24 =	vld.idx.msk [tilespmem:v18+s12+$0x0], $0xffff  }
0xb4: {  	v29 =	vimm.f32 $0.0e+00;
	v23 =	vor.u32 s6, v14;
	v22 =	vor.u32 s6, v16;
	s7 =	simm.s32 $0x6;
	s31 =	simm.s32 $0x7;
	s6 =	simm.s32 $0x5;
	v18 =	vld.idx.msk [tilespmem:v19+s17+$0x0], $0xffff  }
0xb5: {  	v17 =	vor.u32 s7, v14;
	v27 =	vor.u32 s6, v14;
	v13 =	vor.u32 s31, v16;
	v25 =	vld.idx.msk [tilespmem:v21+s12+$0x0], $0xffff  }
0xb6: {  	v15 =	vor.u32 s31, v14;
	v21 =	vld.idx.msk [tilespmem:v26+s17+$0x0], $0xffff;
	v19 =	vor.u32 s7, v16;
	v30 =	vmul.f32 v31, v32  }
0xb7: {  	s0 =	simm.s32 $0x8;
	v26 =	vld.idx.msk [tilespmem:v28+s12+$0x0], $0xffff;
	v28 =	vor.u32 s6, v16;
	v31 =	vmul.f32 v31, v31;
	v32 =	vmul.f32 v32, v32  }
.LBB2_12:
0xb8: {  	p0 =	sne.s32 s0, $0x3C;
	v29 =	vadd.f32 v30, v29;
	v30 =	vmul.f32 v24, v20;
	v24 =	vmul.f32 v24, v24  }
0xb9: {  	v20 =	vmul.f32 v20, v20;
	v11 =	vadd.f32 v31, v11;
	v10 =	vadd.f32 v32, v10  }
0xba: {  	v32 =	vld.idx.msk [tilespmem:v23+s17+$0x0], $0xffff;
	v23 =	vadd.f32 v30, v29;
	v29 =	vmul.f32 v25, v18;
	v25 =	vmul.f32 v25, v25  }
0xbb: {  	v18 =	vmul.f32 v18, v18;
	v31 =	vld.idx.msk [tilespmem:v22+s12+$0x0], $0xffff;
	v11 =	vadd.f32 v24, v11;
	v10 =	vadd.f32 v20, v10  }
0xbc: {  	v20 =	vld.idx.msk [tilespmem:v27+s17+$0x0], $0xffff;
	v22 =	vadd.f32 v29, v23;
	v27 =	vmul.f32 v26, v21;
	v26 =	vmul.f32 v26, v26  }
0xbd: {  	v21 =	vmul.f32 v21, v21;
	v24 =	vld.idx.msk [tilespmem:v28+s12+$0x0], $0xffff;
	v11 =	vadd.f32 v25, v11;
	v10 =	vadd.f32 v18, v10  }
.Ltmp5:
0xbe: {  	v23 =	vor.u32 s0, v14;
	v18 =	vld.idx.msk [tilespmem:v17+s17+$0x0], $0xffff;
	v29 =	vadd.f32 v27, v22;
	(pc) =	sbr.rel @p0 .LBB2_12-.Ltmp5, $4  }
0xbf: {  	s1 =	sadd.s32 $0x2, s0;
	s6 =	sadd.s32 $0x3, s0;
	v22 =	vor.u32 s0, v16;
	v25 =	vld.idx.msk [tilespmem:v19+s12+$0x0], $0xffff;
	v11 =	vadd.f32 v26, v11;
	v10 =	vadd.f32 v21, v10  }
0xc0: {  	s7 =	sadd.s32 $0x1, s0;
	v28 =	vor.u32 s6, v16;
	v17 =	vor.u32 s1, v14;
	v21 =	vld.idx.msk [tilespmem:v15+s17+$0x0], $0xffff;
	v15 =	vor.u32 s6, v14  }
0xc1: {  	v27 =	vor.u32 s7, v14;
	v19 =	vor.u32 s1, v16;
	v30 =	vmul.f32 v31, v32;
	v26 =	vld.idx.msk [tilespmem:v13+s12+$0x0], $0xffff;
	v13 =	vmovc v28  }
0xc2: {  	s0 =	sadd.s32 $0x4, s0;
	v31 =	vmul.f32 v31, v31;
	v32 =	vmul.f32 v32, v32;
	v28 =	vor.u32 s7, v16  }
0xc3: {  	_ =	sdelay $0x3  }
0xc4: {  	v14 =	vadd.f32 v30, v29;
	v16 =	vmul.f32 v24, v20;
	v46 =	vmul.f32 v24, v24;
	v23 =	vld.idx.msk [tilespmem:v23+s17+$0x0], $0xffff  }
0xc5: {  	v47 =	vmul.f32 v20, v20;
	v22 =	vld.idx.msk [tilespmem:v22+s12+$0x0], $0xffff;
	v51 =	vmul.f32 v18, v18;
	v11 =	vadd.f32 v31, v11  }
0xc6: {  	v50 =	vld.idx.msk [tilespmem:v27+s17+$0x0], $0xffff;
	v10 =	vadd.f32 v32, v10;
	v48 =	vmul.f32 v25, v18;
	v14 =	vadd.f32 v16, v14  }
0xc7: {  	v52 =	vld.idx.msk [tilespmem:v28+s12+$0x0], $0xffff;
	v12 =	vand.u32 v8, v12;
	v49 =	vmul.f32 v25, v25;
	v11 =	vadd.f32 v46, v11  }
0xc8: {  	v17 =	vld.idx.msk [tilespmem:v17+s17+$0x0], $0xffff;
	v10 =	vadd.f32 v47, v10;
	v53 =	vmul.f32 v26, v21;
	v14 =	vadd.f32 v48, v14  }
0xc9: {  	v19 =	vld.idx.msk [tilespmem:v19+s12+$0x0], $0xffff;
	v55 =	vmul.f32 v21, v21;
	v54 =	vmul.f32 v26, v26;
	v11 =	vadd.f32 v49, v11  }
0xca: {  	v15 =	vld.idx.msk [tilespmem:v15+s17+$0x0], $0xffff;
	v10 =	vadd.f32 v51, v10;
	v56 =	vmul.f32 v22, v23;
	v14 =	vadd.f32 v53, v14  }
0xcb: {  	v13 =	vld.idx.msk [tilespmem:v13+s12+$0x0], $0xffff;
	v57 =	vmul.f32 v22, v22;
	v58 =	vmul.f32 v23, v23;
	v11 =	vadd.f32 v54, v11  }
0xcc: {  	v59 =	vmul.f32 v52, v50;
	v10 =	vadd.f32 v55, v10;
	v14 =	vadd.f32 v56, v14  }
0xcd: {  	v16 =	vmul.f32 v52, v52;
	v60 =	vmul.f32 v50, v50;
	v11 =	vadd.f32 v57, v11  }
0xce: {  	s30 =	sadd.s32 $0x1, s30;
	v61 =	vmul.f32 v19, v17;
	v10 =	vadd.f32 v58, v10;
	v14 =	vadd.f32 v59, v14  }
0xcf: {  	p0 =	sne.s32 s30, $0x8;
	v19 =	vmul.f32 v19, v19;
	v62 =	vmul.f32 v17, v17;
	v11 =	vadd.f32 v16, v11  }
.Ltmp6:
0xd0: {  	v63 =	vmul.f32 v13, v15;
	v10 =	vadd.f32 v60, v10;
	v14 =	vadd.f32 v61, v14;
	(pc) =	sbr.rel @p0 .LBB2_11-.Ltmp6, $3  }
0xd1: {  	v13 =	vmul.f32 v13, v13;
	v11 =	vadd.f32 v19, v11  }
0xd2: {  	v15 =	vmul.f32 v15, v15;
	v10 =	vadd.f32 v62, v10;
	v14 =	vadd.f32 v63, v14;
	_ =	sdelay $0x1  }
0xd3: {  	v11 =	vadd.f32 v13, v11;
	v10 =	vadd.f32 v15, v10;
	[tilespmem:v12+s22+$0x0] =	vst.idx.msk $0xffff, v14  }
0xd4: {  	s26 =	sadd.s32 $0x1, s26  }
0xd5: {  	p0 =	sne.s32 s26, $0x64  }
.Ltmp7:
0xd6: {  	_ = 	snop;
	(pc) =	sbr.rel @p0 .LBB2_2-.Ltmp7, $4  }
0xd7: {  	s0 =	sadd.s32 s4, s28  }
0xd8: {  	s0 =	sshrl.u32 s0, $0x3  }
0xd9: {  	s0 =	sadd.s32 s5, s0  }
0xda: {  	[hbm4b:s0+s2] =	stream.linear.scatter [tilespmem:s22], [sflag:$0x4], $0x80, $0x38;
	[tilespmem:$0x12610] =	vst v63  }
0xdb: {  	_ =	swait.ge [sflag:s23], $0x80  }
0xdc: {  	[sflag:s23] =	ssyncset.done $0x0  }
0xdd: {  	[sflag:s23] =	ssyncadd.s32 $0xFFFFFF80  }
0xde: {  	_ =	swait.ge [sflag:s21], $0x80  }
0xdf: {  	[sflag:s21] =	ssyncset.done $0x0  }
0xe0: {  	[sflag:s21] =	ssyncadd.s32 $0xFFFFFF80  }
0xe1: {  	[tilespmem:$0x12600] =	vst v11  }
0xe2: {  	[hbm4b:s8+s2] =	stream.linear.scatter [tilespmem:s24], [sflag:$0x5], $0x10, $0x38;
	[tilespmem:$0x12610] =	vst v63  }
0xe3: {  	_ =	swait.ge [sflag:s11], $0x10  }
0xe4: {  	s25 =	sadd.s32 $0x1, s25;
	[sflag:s11] =	ssyncset.done $0x0  }
0xe5: {  	p0 =	sne.s32 s25, s10;
	[sflag:s11] =	ssyncadd.s32 $0xFFFFFFF0  }
.Ltmp8:
0xe6: {  	[tilespmem:$0x12600] =	vst v10;
	(pc) =	sbr.rel @p0 .LBB2_1-.Ltmp8, $4  }
0xe7: {  	[hbm4b:s9+s2] =	stream.linear.scatter [tilespmem:s24], [sflag:$0x5], $0x10, $0x38;
	[tilespmem:$0x12610] =	vst v63  }
0xe8: {  	_ =	swait.ge [sflag:s11], $0x10  }
0xe9: {  	[sflag:s11] =	ssyncset.done $0x0  }
0xea: {  	[sflag:s11] =	ssyncadd.s32 $0xFFFFFFF0  }
0xeb: {  	_ =	sfence.sel $0x180000  }
0xec: {  	[bflag:$0x0] =	sbarrier.arrive $0xFFFF  }
0xed: {  	_ =	strace $0x9000004A  }
0xee: {  	s0 =	stileid.u32;
	[bflag:$0x2] =	sbarrier.arrive $0xFFFF  }
0xef: {  	p0 =	sne.s32 s0, $0x0;
	s0 =	rddreg [dreg:$0x2]  }
0xf0: {  	s0 =	sadd.s32 @!p0 $0x100000, s0  }
0xf1: {  	[sflag:s0] =	ssyncadd.tile.s32 @!p0 $0x1;
	_ =	shalt  }
.Lfunc_end2:
_tile_overlayer_lowered:
.L_overlay_start_2:
0xf2: {  	(tag) =	ssettag $0x2  }
0xf3: {  	s0 =	rddreg [dreg:$0x0];
	s2 =	stileid.u32  }
0xf4: {  	s1 =	rddreg [dreg:$0x1];
	p0 =	sne.s32 s2, $0x0  }
0xf5: {  	s3 =	rddreg [dreg:$0x2];
	[bflag:$0x3] =	sbarrier.arrive $0xFFFF;
	s2 =	simm.s32 @!p0 $0x1C05  }
0xf6: {  	[timem:s3], [sflag:s2] =	dma.local @!p0 [hbm:s0], s1  }
0xf7: {  	s0 =	simm.s32 @!p0 $0x5  }
0xf8: {  	_ =	swait.ge @!p0 [sflag:s0], s1  }
0xf9: {  	s1 =	ssub.s32 @!p0 $0x0, s1;
	[sflag:s0] =	ssyncset.done @!p0 $0x0  }
0xfa: {  	[sflag:s0] =	ssyncadd.s32 @!p0 s1  }
0xfb: {  	[bflag:$0x3] =	sbarrier.arrive $0xFFFF  }
0xfc: {  	_ =	shalt  }

</sc_bundles>
